<compile_context>
chip_gen: v7x
topology: tpu7x:2x2x1
jax: 0.10.2.dev20260603
libtpu: 0.0.44.dev20260713+nightly
codegen_flags: <defaults>
</compile_context>

<pallas_src>
import functools

import jax
import jax.numpy as jnp
from jax import lax
from jax.experimental import pallas as pl
from jax.experimental.pallas import tpu as pltpu
from jax.experimental.pallas import tpu_sc as plsc

N_NODES_C = 10000
N_EDGES_C = 320000
D = 128
DW = D // 2

NC = 2
NS = 16
L = 16
NW = NC * NS

CH = 128
NBUF = 3
E_W = N_EDGES_C // NW
NCHF = E_W // CH
TAIL = E_W - NCHF * CH
RINGS = NCHF // NBUF


def _normalize_block(h_ref, o_ref):
    x = h_ref[...]
    hr = jnp.maximum(x, 0.0) + 1e-6
    norm = jnp.sqrt(jnp.sum(hr * hr, axis=1, keepdims=True))
    hn = (hr / jnp.maximum(norm, 1e-12)).astype(jnp.bfloat16)
    a = jax.lax.bitcast_convert_type(hn[:, :DW], jnp.uint16).astype(jnp.int32)
    b = jax.lax.bitcast_convert_type(hn[:, DW:], jnp.uint16).astype(jnp.int32)
    o_ref[...] = a | (b << 16)


def _normalize(h):
    rows = h.shape[0]
    blk = 1000
    return pl.pallas_call(
        _normalize_block,
        out_shape=jax.ShapeDtypeStruct((rows, DW), jnp.int32),
        grid=(rows // blk,),
        in_specs=[pl.BlockSpec((blk, D), lambda i: (i, 0))],
        out_specs=pl.BlockSpec((blk, DW), lambda i: (i, 0)),
    )(h)


_HI_MASK = -65536


def _dot_block(ubuf, vbuf, sc_ref, out_off, nsub):

    def sub_body(s, _):
        iota = lax.broadcasted_iota(jnp.int32, (L,), 0)
        rows = iota + s * L

        def w_body(w, carry):
            acc0, acc1, colv = carry
            ui = plsc.load_gather(ubuf, [rows, colv])
            vi = plsc.load_gather(vbuf, [rows, colv])
            ub = plsc.bitcast(ui, jnp.bfloat16)
            vb = plsc.bitcast(vi, jnp.bfloat16)
            pi = plsc.bitcast(ub * vb, jnp.int32)
            lo = plsc.bitcast(pi << 16, jnp.float32)
            hi = plsc.bitcast(pi & _HI_MASK, jnp.float32)
            return acc0 + lo, acc1 + hi, (colv + 1) & (DW - 1)

        z = jnp.zeros((L,), jnp.float32)
        acc0, acc1, _ = plsc.parallel_loop(
            0, DW, 1, unroll=8, carry=(z, z, iota))(w_body)
        sc_ref[pl.ds(out_off + s * L, L)] = acc0 + acc1
        return 0

    lax.fori_loop(0, nsub, sub_body, 0)


def _sc_body(hn_hbm, ei_hbm, out_hbm,
             sidx, didx, ubufs, vbufs, tu, tv, sc, table, sems, tsem):
    sid = lax.axis_index("s")
    wid = sid * NC + lax.axis_index("c")
    base = wid * E_W
    pltpu.sync_copy(ei_hbm.at[0, pl.ds(base, E_W)], sidx)
    pltpu.sync_copy(ei_hbm.at[1, pl.ds(base, E_W)], didx)

    shard = N_NODES_C // NS
    pltpu.sync_copy(hn_hbm.at[pl.ds(sid * shard, shard)],
                    table.at[pl.ds(sid * shard, shard)])
    plsc.subcore_barrier()

    def issue(c, b):
        off = c * CH
        pltpu.async_copy(table.at[sidx.at[pl.ds(off, CH)]], ubufs[b], sems[b])
        pltpu.async_copy(table.at[didx.at[pl.ds(off, CH)]], vbufs[b], sems[b])

    def drain(b):
        pltpu.make_async_copy(
            table.at[sidx.at[pl.ds(0, CH)]], ubufs[b], sems[b]).wait()
        pltpu.make_async_copy(
            table.at[didx.at[pl.ds(0, CH)]], vbufs[b], sems[b]).wait()

    for b in range(NBUF):
        issue(b, b)
    pltpu.async_copy(table.at[sidx.at[pl.ds(NCHF * CH, TAIL)]], tu, tsem)
    pltpu.async_copy(table.at[didx.at[pl.ds(NCHF * CH, TAIL)]], tv, tsem)

    def ring_body(r, _):
        c0 = r * NBUF
        for b in range(NBUF):
            drain(b)
            _dot_block(ubufs[b], vbufs[b], sc, (c0 + b) * CH, CH // L)

            @pl.when(c0 + b + NBUF < NCHF)
            def _():
                issue(c0 + b + NBUF, b)

        return 0

    lax.fori_loop(0, RINGS, ring_body, 0)

    pltpu.make_async_copy(table.at[sidx.at[pl.ds(0, TAIL)]], tu, tsem).wait()
    pltpu.make_async_copy(table.at[didx.at[pl.ds(0, TAIL)]], tv, tsem).wait()
    _dot_block(tu, tv, sc, NCHF * CH, TAIL // L)

    pltpu.sync_copy(sc, out_hbm.at[pl.ds(base, E_W)])


def _sc_entry(hn_hbm, ei_hbm, out_hbm,
              sidx, didx, u0, u1, u2, v0, v1, v2, tu, tv, sc, table,
              sem0, sem1, sem2, tsem):
    _sc_body(hn_hbm, ei_hbm, out_hbm, sidx, didx,
             (u0, u1, u2), (v0, v1, v2), tu, tv, sc, table,
             (sem0, sem1, sem2), tsem)


_sc_dot = functools.partial(
    pl.kernel,
    out_type=jax.ShapeDtypeStruct((N_EDGES_C,), jnp.float32),
    mesh=plsc.VectorSubcoreMesh(core_axis_name="c", subcore_axis_name="s"),
    scratch_types=(
        [pltpu.VMEM((E_W,), jnp.int32)] * 2
        + [pltpu.VMEM((CH, DW), jnp.int32)] * (2 * NBUF)
        + [pltpu.VMEM((TAIL, DW), jnp.int32)] * 2
        + [pltpu.VMEM((E_W,), jnp.float32)]
        + [pltpu.VMEM_SHARED((N_NODES_C, DW), jnp.int32)]
        + [pltpu.SemaphoreType.DMA] * (NBUF + 1)
    ),
    compiler_params=pltpu.CompilerParams(
        needs_layout_passes=False, use_tc_tiling_on_sc=False),
)(_sc_entry)


def kernel(h, edge_index):
    hn_packed = _normalize(h)
    ei = edge_index.astype(jnp.int32)
    return _sc_dot(hn_packed, ei)

# --- scband reference (transcript-rebuilt; emitter-appended) ---
"""Pipeline reference for scband-dot-product-prediction-head-53085795779371 (READ-ONLY COPY).

The authoritative reference and input builder live on the scoring server;
editing this copy changes nothing except your own understanding.
"""

import jax, jax.numpy as jnp
import numpy as np

N_NODES = 10000
N_EDGES = 320000
D_FEAT = 128


def setup_inputs(seed: int = 0) -> dict:
    key = jax.random.key(seed)
    k1, k2 = jax.random.split(key)
    h = jax.random.normal(k1, (N_NODES, D_FEAT), dtype=jnp.float32)
    edge_index = jax.random.randint(k2, (2, N_EDGES), 0, N_NODES, dtype=jnp.int64)
    return {"h": h, "edge_index": edge_index}


def reference(h, edge_index):
    # dp_normalize_output=True branch:
    # torch.nn.functional.normalize(relu(h) + 1e-6, p=2.0, dim=1)
    # torch normalize: x / max(||x||_2, eps) with eps=1e-12
    hr = jax.nn.relu(h) + 1e-06
    norm = jnp.sqrt(jnp.sum(hr * hr, axis=1, keepdims=True))
    hn = hr / jnp.maximum(norm, 1e-12)
    # dgl u_dot_v: per-edge dot product of source and destination node features
    src = edge_index[0]
    dst = edge_index[1]
    hu = jnp.take(hn, src, axis=0)
    hv = jnp.take(hn, dst, axis=0)
    score = jnp.sum(hu * hv, axis=1)
    return score

if __name__ == "__main__":
    import jax
    _d = setup_inputs()
    print(jax.jit(kernel)(*tuple(_d.values())))

</pallas_src>

<mosaic_0001>
#map = affine_map<(d0, d1) -> (0, 0)>
#map1 = affine_map<(d0, d1) -> (0)>
module attributes {stable_mosaic.version = 14 : i64} {
  func.func @_sc_entry(%arg0: i32, %arg1: i32, %arg2: memref<10000x64xi32, #tpu.memory_space<hbm>>, %arg3: memref<2x320000xi32, #tpu.memory_space<hbm>>, %arg4: memref<320000xf32, #tpu.memory_space<hbm>>, %arg5: memref<10000xi32, #tpu.memory_space<vmem>>, %arg6: memref<10000xi32, #tpu.memory_space<vmem>>, %arg7: memref<128x64xi32, #tpu.memory_space<vmem>>, %arg8: memref<128x64xi32, #tpu.memory_space<vmem>>, %arg9: memref<128x64xi32, #tpu.memory_space<vmem>>, %arg10: memref<128x64xi32, #tpu.memory_space<vmem>>, %arg11: memref<128x64xi32, #tpu.memory_space<vmem>>, %arg12: memref<128x64xi32, #tpu.memory_space<vmem>>, %arg13: memref<16x64xi32, #tpu.memory_space<vmem>>, %arg14: memref<16x64xi32, #tpu.memory_space<vmem>>, %arg15: memref<10000xf32, #tpu.memory_space<vmem>>, %arg16: memref<10000x64xi32, #tpu.memory_space<vmem_shared>>, %arg17: memref<!tpu.dma_semaphore, #tpu.memory_space<semaphore_mem>>, %arg18: memref<!tpu.dma_semaphore, #tpu.memory_space<semaphore_mem>>, %arg19: memref<!tpu.dma_semaphore, #tpu.memory_space<semaphore_mem>>, %arg20: memref<!tpu.dma_semaphore, #tpu.memory_space<semaphore_mem>>) attributes {dimension_semantics = [#tpu.dimension_semantics<core_parallel>, #tpu.dimension_semantics<subcore_parallel>], iteration_bounds = array<i64: 2, 16>, scalar_prefetch = 0 : i64, scratch_operands = 16 : i64, tpu.core_type = #tpu.core_type<sc_vector_subcore>, window_params = [{transform_indices = #map}, {transform_indices = #map}, {transform_indices = #map1}]} {
    %mul3A = arith.constant 2 : i32
    %mul3A_0 = arith.muli %arg1, %mul3A : i32
    %add3A = arith.addi %mul3A_0, %arg0 : i32
    %mul3A_1 = arith.constant 10000 : i32
    %mul3A_2 = arith.muli %add3A, %mul3A_1 : i32
    %run_scoped3A = arith.constant 0 : i32
    "tpu.region"() ({
      %run_scoped3A_80 = tpu.sem_alloc : memref<!tpu.dma_semaphore, #tpu.memory_space<semaphore_mem>>
      %dma_start3A_81 = tpu.memref_slice %arg3[%run_scoped3A, %mul3A_2] : memref<2x320000xi32, #tpu.memory_space<hbm>> -> memref<1x10000xi32, #tpu.memory_space<hbm>>
      %dma_start3A_82 = tpu.memref_squeeze %dma_start3A_81 : memref<1x10000xi32, #tpu.memory_space<hbm>> -> memref<10000xi32, #tpu.memory_space<hbm>>
      %dma_start3A_83 = tpu.memref_slice %arg3[%run_scoped3A, %mul3A_2] : memref<2x320000xi32, #tpu.memory_space<hbm>> -> memref<1x10000xi32, #tpu.memory_space<hbm>>
      %dma_start3A_84 = tpu.memref_squeeze %dma_start3A_83 : memref<1x10000xi32, #tpu.memory_space<hbm>> -> memref<10000xi32, #tpu.memory_space<hbm>>
      tpu.enqueue_dma source(%dma_start3A_84 : memref<10000xi32, #tpu.memory_space<hbm>>) target(%arg5 : memref<10000xi32, #tpu.memory_space<vmem>>) target_semaphore(%run_scoped3A_80 : memref<!tpu.dma_semaphore, #tpu.memory_space<semaphore_mem>>)
      %dma_wait3A_85 = tpu.memref_slice %arg3[%run_scoped3A, %mul3A_2] : memref<2x320000xi32, #tpu.memory_space<hbm>> -> memref<1x10000xi32, #tpu.memory_space<hbm>>
      %dma_wait3A_86 = tpu.memref_squeeze %dma_wait3A_85 : memref<1x10000xi32, #tpu.memory_space<hbm>> -> memref<10000xi32, #tpu.memory_space<hbm>>
      %dma_wait3A_87 = tpu.memref_slice %arg3[%run_scoped3A, %mul3A_2] : memref<2x320000xi32, #tpu.memory_space<hbm>> -> memref<1x10000xi32, #tpu.memory_space<hbm>>
      %dma_wait3A_88 = tpu.memref_squeeze %dma_wait3A_87 : memref<1x10000xi32, #tpu.memory_space<hbm>> -> memref<10000xi32, #tpu.memory_space<hbm>>
      tpu.wait_dma2 semaphore(%run_scoped3A_80 : memref<!tpu.dma_semaphore, #tpu.memory_space<semaphore_mem>>) src(%dma_wait3A_88 : memref<10000xi32, #tpu.memory_space<hbm>>) dst(%arg5 : memref<10000xi32, #tpu.memory_space<vmem>>)
      tpu.yield
    }) : () -> ()
    %run_scoped3A_3 = arith.constant 1 : i32
    "tpu.region"() ({
      %run_scoped3A_80 = tpu.sem_alloc : memref<!tpu.dma_semaphore, #tpu.memory_space<semaphore_mem>>
      %dma_start3A_81 = tpu.memref_slice %arg3[%run_scoped3A_3, %mul3A_2] : memref<2x320000xi32, #tpu.memory_space<hbm>> -> memref<1x10000xi32, #tpu.memory_space<hbm>>
      %dma_start3A_82 = tpu.memref_squeeze %dma_start3A_81 : memref<1x10000xi32, #tpu.memory_space<hbm>> -> memref<10000xi32, #tpu.memory_space<hbm>>
      %dma_start3A_83 = tpu.memref_slice %arg3[%run_scoped3A_3, %mul3A_2] : memref<2x320000xi32, #tpu.memory_space<hbm>> -> memref<1x10000xi32, #tpu.memory_space<hbm>>
      %dma_start3A_84 = tpu.memref_squeeze %dma_start3A_83 : memref<1x10000xi32, #tpu.memory_space<hbm>> -> memref<10000xi32, #tpu.memory_space<hbm>>
      tpu.enqueue_dma source(%dma_start3A_84 : memref<10000xi32, #tpu.memory_space<hbm>>) target(%arg6 : memref<10000xi32, #tpu.memory_space<vmem>>) target_semaphore(%run_scoped3A_80 : memref<!tpu.dma_semaphore, #tpu.memory_space<semaphore_mem>>)
      %dma_wait3A_85 = tpu.memref_slice %arg3[%run_scoped3A_3, %mul3A_2] : memref<2x320000xi32, #tpu.memory_space<hbm>> -> memref<1x10000xi32, #tpu.memory_space<hbm>>
      %dma_wait3A_86 = tpu.memref_squeeze %dma_wait3A_85 : memref<1x10000xi32, #tpu.memory_space<hbm>> -> memref<10000xi32, #tpu.memory_space<hbm>>
      %dma_wait3A_87 = tpu.memref_slice %arg3[%run_scoped3A_3, %mul3A_2] : memref<2x320000xi32, #tpu.memory_space<hbm>> -> memref<1x10000xi32, #tpu.memory_space<hbm>>
      %dma_wait3A_88 = tpu.memref_squeeze %dma_wait3A_87 : memref<1x10000xi32, #tpu.memory_space<hbm>> -> memref<10000xi32, #tpu.memory_space<hbm>>
      tpu.wait_dma2 semaphore(%run_scoped3A_80 : memref<!tpu.dma_semaphore, #tpu.memory_space<semaphore_mem>>) src(%dma_wait3A_88 : memref<10000xi32, #tpu.memory_space<hbm>>) dst(%arg6 : memref<10000xi32, #tpu.memory_space<vmem>>)
      tpu.yield
    }) : () -> ()
    %mul3A_4 = arith.constant 625 : i32
    %mul3A_5 = arith.muli %arg1, %mul3A_4 : i32
    %mul3A_6 = arith.constant 625 : i32
    %mul3A_7 = arith.muli %arg1, %mul3A_6 : i32
    "tpu.region"() ({
      %run_scoped3A_80 = tpu.sem_alloc : memref<!tpu.dma_semaphore, #tpu.memory_space<semaphore_mem>>
      %dma_start3A_81 = arith.constant 0 : i32
      %dma_start3A_82 = tpu.memref_slice %arg16[%mul3A_7, %dma_start3A_81] : memref<10000x64xi32, #tpu.memory_space<vmem_shared>> -> memref<625x64xi32, #tpu.memory_space<vmem_shared>>
      %dma_start3A_83 = arith.constant 0 : i32
      %dma_start3A_84 = tpu.memref_slice %arg2[%mul3A_5, %dma_start3A_83] : memref<10000x64xi32, #tpu.memory_space<hbm>> -> memref<625x64xi32, #tpu.memory_space<hbm>>
      tpu.enqueue_dma source(%dma_start3A_84 : memref<625x64xi32, #tpu.memory_space<hbm>>) target(%dma_start3A_82 : memref<625x64xi32, #tpu.memory_space<vmem_shared>>) target_semaphore(%run_scoped3A_80 : memref<!tpu.dma_semaphore, #tpu.memory_space<semaphore_mem>>)
      %dma_wait3A_85 = arith.constant 0 : i32
      %dma_wait3A_86 = tpu.memref_slice %arg16[%mul3A_7, %dma_wait3A_85] : memref<10000x64xi32, #tpu.memory_space<vmem_shared>> -> memref<625x64xi32, #tpu.memory_space<vmem_shared>>
      %dma_wait3A_87 = arith.constant 0 : i32
      %dma_wait3A_88 = tpu.memref_slice %arg2[%mul3A_5, %dma_wait3A_87] : memref<10000x64xi32, #tpu.memory_space<hbm>> -> memref<625x64xi32, #tpu.memory_space<hbm>>
      tpu.wait_dma2 semaphore(%run_scoped3A_80 : memref<!tpu.dma_semaphore, #tpu.memory_space<semaphore_mem>>) src(%dma_wait3A_88 : memref<625x64xi32, #tpu.memory_space<hbm>>) dst(%dma_wait3A_86 : memref<625x64xi32, #tpu.memory_space<vmem_shared>>)
      tpu.yield
    }) : () -> ()
    %barrier3A = arith.constant 0 : index
    tpu.barrier barrier_id(%barrier3A)
    %dma_start3A = arith.constant 0 : i32
    %dma_start3A_8 = tpu.memref_slice %arg5[%dma_start3A] : memref<10000xi32, #tpu.memory_space<vmem>> -> memref<128xi32, #tpu.memory_space<vmem>>
    %dma_start3A_9 = arith.constant 0 : i32
    %dma_start3A_10 = arith.constant 0 : i32
    %dma_start3A_11 = tpu.memref_slice %arg16[%dma_start3A_9, %dma_start3A_10] : memref<10000x64xi32, #tpu.memory_space<vmem_shared>> -> memref<10000x64xi32, #tpu.memory_space<vmem_shared>>
    tpu.enqueue_indirect_dma source(%dma_start3A_11 : memref<10000x64xi32, #tpu.memory_space<vmem_shared>>) target(%arg7 : memref<128x64xi32, #tpu.memory_space<vmem>>) offsets(%dma_start3A_8 : memref<128xi32, #tpu.memory_space<vmem>>) semaphore(%arg17 : memref<!tpu.dma_semaphore, #tpu.memory_space<semaphore_mem>>)
    %dma_start3A_12 = arith.constant 0 : i32
    %dma_start3A_13 = tpu.memref_slice %arg6[%dma_start3A_12] : memref<10000xi32, #tpu.memory_space<vmem>> -> memref<128xi32, #tpu.memory_space<vmem>>
    %dma_start3A_14 = arith.constant 0 : i32
    %dma_start3A_15 = arith.constant 0 : i32
    %dma_start3A_16 = tpu.memref_slice %arg16[%dma_start3A_14, %dma_start3A_15] : memref<10000x64xi32, #tpu.memory_space<vmem_shared>> -> memref<10000x64xi32, #tpu.memory_space<vmem_shared>>
    tpu.enqueue_indirect_dma source(%dma_start3A_16 : memref<10000x64xi32, #tpu.memory_space<vmem_shared>>) target(%arg10 : memref<128x64xi32, #tpu.memory_space<vmem>>) offsets(%dma_start3A_13 : memref<128xi32, #tpu.memory_space<vmem>>) semaphore(%arg17 : memref<!tpu.dma_semaphore, #tpu.memory_space<semaphore_mem>>)
    %dma_start3A_17 = arith.constant 128 : i32
    %dma_start3A_18 = tpu.memref_slice %arg5[%dma_start3A_17] : memref<10000xi32, #tpu.memory_space<vmem>> -> memref<128xi32, #tpu.memory_space<vmem>>
    %dma_start3A_19 = arith.constant 0 : i32
    %dma_start3A_20 = arith.constant 0 : i32
    %dma_start3A_21 = tpu.memref_slice %arg16[%dma_start3A_19, %dma_start3A_20] : memref<10000x64xi32, #tpu.memory_space<vmem_shared>> -> memref<10000x64xi32, #tpu.memory_space<vmem_shared>>
    tpu.enqueue_indirect_dma source(%dma_start3A_21 : memref<10000x64xi32, #tpu.memory_space<vmem_shared>>) target(%arg8 : memref<128x64xi32, #tpu.memory_space<vmem>>) offsets(%dma_start3A_18 : memref<128xi32, #tpu.memory_space<vmem>>) semaphore(%arg18 : memref<!tpu.dma_semaphore, #tpu.memory_space<semaphore_mem>>)
    %dma_start3A_22 = arith.constant 128 : i32
    %dma_start3A_23 = tpu.memref_slice %arg6[%dma_start3A_22] : memref<10000xi32, #tpu.memory_space<vmem>> -> memref<128xi32, #tpu.memory_space<vmem>>
    %dma_start3A_24 = arith.constant 0 : i32
    %dma_start3A_25 = arith.constant 0 : i32
    %dma_start3A_26 = tpu.memref_slice %arg16[%dma_start3A_24, %dma_start3A_25] : memref<10000x64xi32, #tpu.memory_space<vmem_shared>> -> memref<10000x64xi32, #tpu.memory_space<vmem_shared>>
    tpu.enqueue_indirect_dma source(%dma_start3A_26 : memref<10000x64xi32, #tpu.memory_space<vmem_shared>>) target(%arg11 : memref<128x64xi32, #tpu.memory_space<vmem>>) offsets(%dma_start3A_23 : memref<128xi32, #tpu.memory_space<vmem>>) semaphore(%arg18 : memref<!tpu.dma_semaphore, #tpu.memory_space<semaphore_mem>>)
    %dma_start3A_27 = arith.constant 256 : i32
    %dma_start3A_28 = tpu.memref_slice %arg5[%dma_start3A_27] : memref<10000xi32, #tpu.memory_space<vmem>> -> memref<128xi32, #tpu.memory_space<vmem>>
    %dma_start3A_29 = arith.constant 0 : i32
    %dma_start3A_30 = arith.constant 0 : i32
    %dma_start3A_31 = tpu.memref_slice %arg16[%dma_start3A_29, %dma_start3A_30] : memref<10000x64xi32, #tpu.memory_space<vmem_shared>> -> memref<10000x64xi32, #tpu.memory_space<vmem_shared>>
    tpu.enqueue_indirect_dma source(%dma_start3A_31 : memref<10000x64xi32, #tpu.memory_space<vmem_shared>>) target(%arg9 : memref<128x64xi32, #tpu.memory_space<vmem>>) offsets(%dma_start3A_28 : memref<128xi32, #tpu.memory_space<vmem>>) semaphore(%arg19 : memref<!tpu.dma_semaphore, #tpu.memory_space<semaphore_mem>>)
    %dma_start3A_32 = arith.constant 256 : i32
    %dma_start3A_33 = tpu.memref_slice %arg6[%dma_start3A_32] : memref<10000xi32, #tpu.memory_space<vmem>> -> memref<128xi32, #tpu.memory_space<vmem>>
    %dma_start3A_34 = arith.constant 0 : i32
    %dma_start3A_35 = arith.constant 0 : i32
    %dma_start3A_36 = tpu.memref_slice %arg16[%dma_start3A_34, %dma_start3A_35] : memref<10000x64xi32, #tpu.memory_space<vmem_shared>> -> memref<10000x64xi32, #tpu.memory_space<vmem_shared>>
    tpu.enqueue_indirect_dma source(%dma_start3A_36 : memref<10000x64xi32, #tpu.memory_space<vmem_shared>>) target(%arg12 : memref<128x64xi32, #tpu.memory_space<vmem>>) offsets(%dma_start3A_33 : memref<128xi32, #tpu.memory_space<vmem>>) semaphore(%arg19 : memref<!tpu.dma_semaphore, #tpu.memory_space<semaphore_mem>>)
    %dma_start3A_37 = arith.constant 9984 : i32
    %dma_start3A_38 = tpu.memref_slice %arg5[%dma_start3A_37] : memref<10000xi32, #tpu.memory_space<vmem>> -> memref<16xi32, #tpu.memory_space<vmem>>
    %dma_start3A_39 = arith.constant 0 : i32
    %dma_start3A_40 = arith.constant 0 : i32
    %dma_start3A_41 = tpu.memref_slice %arg16[%dma_start3A_39, %dma_start3A_40] : memref<10000x64xi32, #tpu.memory_space<vmem_shared>> -> memref<10000x64xi32, #tpu.memory_space<vmem_shared>>
    tpu.enqueue_indirect_dma source(%dma_start3A_41 : memref<10000x64xi32, #tpu.memory_space<vmem_shared>>) target(%arg13 : memref<16x64xi32, #tpu.memory_space<vmem>>) offsets(%dma_start3A_38 : memref<16xi32, #tpu.memory_space<vmem>>) semaphore(%arg20 : memref<!tpu.dma_semaphore, #tpu.memory_space<semaphore_mem>>)
    %dma_start3A_42 = arith.constant 9984 : i32
    %dma_start3A_43 = tpu.memref_slice %arg6[%dma_start3A_42] : memref<10000xi32, #tpu.memory_space<vmem>> -> memref<16xi32, #tpu.memory_space<vmem>>
    %dma_start3A_44 = arith.constant 0 : i32
    %dma_start3A_45 = arith.constant 0 : i32
    %dma_start3A_46 = tpu.memref_slice %arg16[%dma_start3A_44, %dma_start3A_45] : memref<10000x64xi32, #tpu.memory_space<vmem_shared>> -> memref<10000x64xi32, #tpu.memory_space<vmem_shared>>
    tpu.enqueue_indirect_dma source(%dma_start3A_46 : memref<10000x64xi32, #tpu.memory_space<vmem_shared>>) target(%arg14 : memref<16x64xi32, #tpu.memory_space<vmem>>) offsets(%dma_start3A_43 : memref<16xi32, #tpu.memory_space<vmem>>) semaphore(%arg20 : memref<!tpu.dma_semaphore, #tpu.memory_space<semaphore_mem>>)
    %scan3A = arith.constant 0 : i32
    %scan3A_47 = arith.constant 0 : i32
    %scan3A_48 = arith.constant 26 : i32
    %scan3A_49 = arith.addi %scan3A_47, %scan3A_48 : i32
    %scan3A_50 = arith.constant 1 : i32
    %scan3A_51 = scf.for %scan3A_80 = %scan3A_47 to %scan3A_49 step %scan3A_50 iter_args(%scan3A_81 = %scan3A) -> (i32)  : i32 {
      %mul3A_82 = arith.constant 3 : i32
      %mul3A_83 = arith.muli %scan3A_80, %mul3A_82 : i32
      %dma_wait3A_84 = arith.constant 0 : i32
      %dma_wait3A_85 = tpu.memref_slice %arg5[%dma_wait3A_84] : memref<10000xi32, #tpu.memory_space<vmem>> -> memref<128xi32, #tpu.memory_space<vmem>>
      %dma_wait3A_86 = arith.constant 0 : i32
      %dma_wait3A_87 = arith.constant 0 : i32
      %dma_wait3A_88 = tpu.memref_slice %arg16[%dma_wait3A_86, %dma_wait3A_87] : memref<10000x64xi32, #tpu.memory_space<vmem_shared>> -> memref<10000x64xi32, #tpu.memory_space<vmem_shared>>
      tpu.wait_indirect_dma semaphore(%arg17 : memref<!tpu.dma_semaphore, #tpu.memory_space<semaphore_mem>>) src(%dma_wait3A_88 : memref<10000x64xi32, #tpu.memory_space<vmem_shared>>) dst(%arg7 : memref<128x64xi32, #tpu.memory_space<vmem>>)
      %dma_wait3A_89 = arith.constant 0 : i32
      %dma_wait3A_90 = tpu.memref_slice %arg6[%dma_wait3A_89] : memref<10000xi32, #tpu.memory_space<vmem>> -> memref<128xi32, #tpu.memory_space<vmem>>
      %dma_wait3A_91 = arith.constant 0 : i32
      %dma_wait3A_92 = arith.constant 0 : i32
      %dma_wait3A_93 = tpu.memref_slice %arg16[%dma_wait3A_91, %dma_wait3A_92] : memref<10000x64xi32, #tpu.memory_space<vmem_shared>> -> memref<10000x64xi32, #tpu.memory_space<vmem_shared>>
      tpu.wait_indirect_dma semaphore(%arg17 : memref<!tpu.dma_semaphore, #tpu.memory_space<semaphore_mem>>) src(%dma_wait3A_93 : memref<10000x64xi32, #tpu.memory_space<vmem_shared>>) dst(%arg10 : memref<128x64xi32, #tpu.memory_space<vmem>>)
      %add3A_94 = arith.constant 0 : i32
      %add3A_95 = arith.addi %mul3A_83, %add3A_94 : i32
      %mul3A_96 = arith.constant 128 : i32
      %mul3A_97 = arith.muli %add3A_95, %mul3A_96 : i32
      %scan3A_98 = arith.constant 0 : i32
      %scan3A_99 = arith.constant 0 : i32
      %scan3A_100 = arith.constant 8 : i32
      %scan3A_101 = arith.addi %scan3A_99, %scan3A_100 : i32
      %scan3A_102 = arith.constant 1 : i32
      %scan3A_103 = scf.for %scan3A_172 = %scan3A_99 to %scan3A_101 step %scan3A_102 iter_args(%scan3A_173 = %scan3A_98) -> (i32)  : i32 {
        %iota3A_174 = tpu.iota {dimensions = array<i32: 0>} : vector<16xi32>
        %mul3A_175 = arith.constant 16 : i32
        %mul3A_176 = arith.muli %scan3A_172, %mul3A_175 : i32
        %add3A_177 = vector.broadcast %mul3A_176 : i32 to vector<16xi32>
        %add3A_178 = arith.addi %iota3A_174, %add3A_177 : vector<16xi32>
        %broadcast_in_dim3A_179 = arith.constant 0.000000e+00 : f32
        %broadcast_in_dim3A_180 = vector.broadcast %broadcast_in_dim3A_179 : f32 to vector<16xf32>
        %parallel_loop3A_181 = arith.constant 0 : i32
        %parallel_loop3A_182 = arith.constant 64 : i32
        %parallel_loop3A_183 = arith.constant 1 : i32
        %parallel_loop3A_184:3 = scf.for %parallel_loop3A_192 = %parallel_loop3A_181 to %parallel_loop3A_182 step %parallel_loop3A_183 iter_args(%parallel_loop3A_193 = %broadcast_in_dim3A_180, %parallel_loop3A_194 = %broadcast_in_dim3A_180, %parallel_loop3A_195 = %iota3A_174) -> (vector<16xf32>, vector<16xf32>, vector<16xi32>)  : i32 {
          %parallel_loop3A_196 = tpu.vector_load_idx %arg7[%add3A_178, %parallel_loop3A_195] : memref<128x64xi32, #tpu.memory_space<vmem>>[vector<16xi32>, vector<16xi32>], vector<16xi32>,
          %parallel_loop3A_197 = tpu.vector_load_idx %arg10[%add3A_178, %parallel_loop3A_195] : memref<128x64xi32, #tpu.memory_space<vmem>>[vector<16xi32>, vector<16xi32>], vector<16xi32>,
          %parallel_loop3A_198 = vector.bitcast %parallel_loop3A_196 : vector<16xi32> to vector<32xbf16>
          %parallel_loop3A_199 = vector.bitcast %parallel_loop3A_197 : vector<16xi32> to vector<32xbf16>
          %parallel_loop3A_200 = arith.mulf %parallel_loop3A_198, %parallel_loop3A_199 : vector<32xbf16>
          %parallel_loop3A_201 = vector.bitcast %parallel_loop3A_200 : vector<32xbf16> to vector<16xi32>
          %parallel_loop3A_202 = arith.constant 16 : i32
          %parallel_loop3A_203 = vector.broadcast %parallel_loop3A_202 : i32 to vector<16xi32>
          %parallel_loop3A_204 = arith.shli %parallel_loop3A_201, %parallel_loop3A_203 : vector<16xi32>
          %parallel_loop3A_205 = vector.bitcast %parallel_loop3A_204 : vector<16xi32> to vector<16xf32>
          %parallel_loop3A_206 = arith.constant -65536 : i32
          %parallel_loop3A_207 = vector.broadcast %parallel_loop3A_206 : i32 to vector<16xi32>
          %parallel_loop3A_208 = arith.andi %parallel_loop3A_201, %parallel_loop3A_207 : vector<16xi32>
          %parallel_loop3A_209 = vector.bitcast %parallel_loop3A_208 : vector<16xi32> to vector<16xf32>
          %parallel_loop3A_210 = arith.addf %parallel_loop3A_193, %parallel_loop3A_205 : vector<16xf32>
          %parallel_loop3A_211 = arith.addf %parallel_loop3A_194, %parallel_loop3A_209 : vector<16xf32>
          %parallel_loop3A_212 = arith.constant 1 : i32
          %parallel_loop3A_213 = vector.broadcast %parallel_loop3A_212 : i32 to vector<16xi32>
          %parallel_loop3A_214 = arith.addi %parallel_loop3A_195, %parallel_loop3A_213 : vector<16xi32>
          %parallel_loop3A_215 = arith.constant 63 : i32
          %parallel_loop3A_216 = vector.broadcast %parallel_loop3A_215 : i32 to vector<16xi32>
          %parallel_loop3A_217 = arith.andi %parallel_loop3A_214, %parallel_loop3A_216 : vector<16xi32>
          scf.yield %parallel_loop3A_210, %parallel_loop3A_211, %parallel_loop3A_217 : vector<16xf32>, vector<16xf32>, vector<16xi32>
        } {sc.loop_unroll_factor = 8 : i64, sc.parallel_access}
        %add3A_185 = arith.addf %parallel_loop3A_184#0, %parallel_loop3A_184#1 : vector<16xf32>
        %mul3A_186 = arith.constant 16 : i32
        %mul3A_187 = arith.muli %scan3A_172, %mul3A_186 : i32
        %add3A_188 = arith.addi %mul3A_97, %mul3A_187 : i32
        %swap3A_189 = arith.index_cast %add3A_188 : i32 to index
        %swap3A_190 = tpu.vector_load %arg15[%swap3A_189] {strides = array<i32>} : memref<10000xf32, #tpu.memory_space<vmem>>, vector<16xf32>,
        tpu.vector_store %arg15[%swap3A_189], %add3A_185 {strides = array<i32>} : memref<10000xf32, #tpu.memory_space<vmem>>, vector<16xf32>,
        %scan3A_191 = arith.constant 0 : i32
        scf.yield %scan3A_191 : i32
      }
      %scan3A_104 = arith.constant 8 : i32
      %add3A_105 = arith.constant 0 : i32
      %add3A_106 = arith.addi %mul3A_83, %add3A_105 : i32
      %add3A_107 = arith.constant 3 : i32
      %add3A_108 = arith.addi %add3A_106, %add3A_107 : i32
      %lt3A = arith.constant 78 : i32
      %lt3A_109 = arith.cmpi slt, %add3A_108, %lt3A : i32
      %convert_element_type3A = arith.extui %lt3A_109 : i1 to i32
      %cond3A = arith.constant 0 : i32
      %cond3A_110 = arith.cmpi ne, %convert_element_type3A, %cond3A : i32
      scf.if %cond3A_110 {
        %add3A_172 = arith.constant 0 : i32
        %add3A_173 = arith.addi %mul3A_83, %add3A_172 : i32
        %add3A_174 = arith.constant 3 : i32
        %add3A_175 = arith.addi %add3A_173, %add3A_174 : i32
        %mul3A_176 = arith.constant 128 : i32
        %mul3A_177 = arith.muli %add3A_175, %mul3A_176 : i32
        %dma_start3A_178 = tpu.memref_slice %arg5[%mul3A_177] : memref<10000xi32, #tpu.memory_space<vmem>> -> memref<128xi32, #tpu.memory_space<vmem>>
        %dma_start3A_179 = arith.constant 0 : i32
        %dma_start3A_180 = arith.constant 0 : i32
        %dma_start3A_181 = tpu.memref_slice %arg16[%dma_start3A_179, %dma_start3A_180] : memref<10000x64xi32, #tpu.memory_space<vmem_shared>> -> memref<10000x64xi32, #tpu.memory_space<vmem_shared>>
        tpu.enqueue_indirect_dma source(%dma_start3A_181 : memref<10000x64xi32, #tpu.memory_space<vmem_shared>>) target(%arg7 : memref<128x64xi32, #tpu.memory_space<vmem>>) offsets(%dma_start3A_178 : memref<128xi32, #tpu.memory_space<vmem>>) semaphore(%arg17 : memref<!tpu.dma_semaphore, #tpu.memory_space<semaphore_mem>>)
        %dma_start3A_182 = tpu.memref_slice %arg6[%mul3A_177] : memref<10000xi32, #tpu.memory_space<vmem>> -> memref<128xi32, #tpu.memory_space<vmem>>
        %dma_start3A_183 = arith.constant 0 : i32
        %dma_start3A_184 = arith.constant 0 : i32
        %dma_start3A_185 = tpu.memref_slice %arg16[%dma_start3A_183, %dma_start3A_184] : memref<10000x64xi32, #tpu.memory_space<vmem_shared>> -> memref<10000x64xi32, #tpu.memory_space<vmem_shared>>
        tpu.enqueue_indirect_dma source(%dma_start3A_185 : memref<10000x64xi32, #tpu.memory_space<vmem_shared>>) target(%arg10 : memref<128x64xi32, #tpu.memory_space<vmem>>) offsets(%dma_start3A_182 : memref<128xi32, #tpu.memory_space<vmem>>) semaphore(%arg17 : memref<!tpu.dma_semaphore, #tpu.memory_space<semaphore_mem>>)
      } else {
      }
      %dma_wait3A_111 = arith.constant 0 : i32
      %dma_wait3A_112 = tpu.memref_slice %arg5[%dma_wait3A_111] : memref<10000xi32, #tpu.memory_space<vmem>> -> memref<128xi32, #tpu.memory_space<vmem>>
      %dma_wait3A_113 = arith.constant 0 : i32
      %dma_wait3A_114 = arith.constant 0 : i32
      %dma_wait3A_115 = tpu.memref_slice %arg16[%dma_wait3A_113, %dma_wait3A_114] : memref<10000x64xi32, #tpu.memory_space<vmem_shared>> -> memref<10000x64xi32, #tpu.memory_space<vmem_shared>>
      tpu.wait_indirect_dma semaphore(%arg18 : memref<!tpu.dma_semaphore, #tpu.memory_space<semaphore_mem>>) src(%dma_wait3A_115 : memref<10000x64xi32, #tpu.memory_space<vmem_shared>>) dst(%arg8 : memref<128x64xi32, #tpu.memory_space<vmem>>)
      %dma_wait3A_116 = arith.constant 0 : i32
      %dma_wait3A_117 = tpu.memref_slice %arg6[%dma_wait3A_116] : memref<10000xi32, #tpu.memory_space<vmem>> -> memref<128xi32, #tpu.memory_space<vmem>>
      %dma_wait3A_118 = arith.constant 0 : i32
      %dma_wait3A_119 = arith.constant 0 : i32
      %dma_wait3A_120 = tpu.memref_slice %arg16[%dma_wait3A_118, %dma_wait3A_119] : memref<10000x64xi32, #tpu.memory_space<vmem_shared>> -> memref<10000x64xi32, #tpu.memory_space<vmem_shared>>
      tpu.wait_indirect_dma semaphore(%arg18 : memref<!tpu.dma_semaphore, #tpu.memory_space<semaphore_mem>>) src(%dma_wait3A_120 : memref<10000x64xi32, #tpu.memory_space<vmem_shared>>) dst(%arg11 : memref<128x64xi32, #tpu.memory_space<vmem>>)
      %add3A_121 = arith.constant 1 : i32
      %add3A_122 = arith.addi %mul3A_83, %add3A_121 : i32
      %mul3A_123 = arith.constant 128 : i32
      %mul3A_124 = arith.muli %add3A_122, %mul3A_123 : i32
      %scan3A_125 = arith.constant 0 : i32
      %scan3A_126 = arith.constant 0 : i32
      %scan3A_127 = arith.constant 8 : i32
      %scan3A_128 = arith.addi %scan3A_126, %scan3A_127 : i32
      %scan3A_129 = arith.constant 1 : i32
      %scan3A_130 = scf.for %scan3A_172 = %scan3A_126 to %scan3A_128 step %scan3A_129 iter_args(%scan3A_173 = %scan3A_125) -> (i32)  : i32 {
        %iota3A_174 = tpu.iota {dimensions = array<i32: 0>} : vector<16xi32>
        %mul3A_175 = arith.constant 16 : i32
        %mul3A_176 = arith.muli %scan3A_172, %mul3A_175 : i32
        %add3A_177 = vector.broadcast %mul3A_176 : i32 to vector<16xi32>
        %add3A_178 = arith.addi %iota3A_174, %add3A_177 : vector<16xi32>
        %broadcast_in_dim3A_179 = arith.constant 0.000000e+00 : f32
        %broadcast_in_dim3A_180 = vector.broadcast %broadcast_in_dim3A_179 : f32 to vector<16xf32>
        %parallel_loop3A_181 = arith.constant 0 : i32
        %parallel_loop3A_182 = arith.constant 64 : i32
        %parallel_loop3A_183 = arith.constant 1 : i32
        %parallel_loop3A_184:3 = scf.for %parallel_loop3A_192 = %parallel_loop3A_181 to %parallel_loop3A_182 step %parallel_loop3A_183 iter_args(%parallel_loop3A_193 = %broadcast_in_dim3A_180, %parallel_loop3A_194 = %broadcast_in_dim3A_180, %parallel_loop3A_195 = %iota3A_174) -> (vector<16xf32>, vector<16xf32>, vector<16xi32>)  : i32 {
          %parallel_loop3A_196 = tpu.vector_load_idx %arg8[%add3A_178, %parallel_loop3A_195] : memref<128x64xi32, #tpu.memory_space<vmem>>[vector<16xi32>, vector<16xi32>], vector<16xi32>,
          %parallel_loop3A_197 = tpu.vector_load_idx %arg11[%add3A_178, %parallel_loop3A_195] : memref<128x64xi32, #tpu.memory_space<vmem>>[vector<16xi32>, vector<16xi32>], vector<16xi32>,
          %parallel_loop3A_198 = vector.bitcast %parallel_loop3A_196 : vector<16xi32> to vector<32xbf16>
          %parallel_loop3A_199 = vector.bitcast %parallel_loop3A_197 : vector<16xi32> to vector<32xbf16>
          %parallel_loop3A_200 = arith.mulf %parallel_loop3A_198, %parallel_loop3A_199 : vector<32xbf16>
          %parallel_loop3A_201 = vector.bitcast %parallel_loop3A_200 : vector<32xbf16> to vector<16xi32>
          %parallel_loop3A_202 = arith.constant 16 : i32
          %parallel_loop3A_203 = vector.broadcast %parallel_loop3A_202 : i32 to vector<16xi32>
          %parallel_loop3A_204 = arith.shli %parallel_loop3A_201, %parallel_loop3A_203 : vector<16xi32>
          %parallel_loop3A_205 = vector.bitcast %parallel_loop3A_204 : vector<16xi32> to vector<16xf32>
          %parallel_loop3A_206 = arith.constant -65536 : i32
          %parallel_loop3A_207 = vector.broadcast %parallel_loop3A_206 : i32 to vector<16xi32>
          %parallel_loop3A_208 = arith.andi %parallel_loop3A_201, %parallel_loop3A_207 : vector<16xi32>
          %parallel_loop3A_209 = vector.bitcast %parallel_loop3A_208 : vector<16xi32> to vector<16xf32>
          %parallel_loop3A_210 = arith.addf %parallel_loop3A_193, %parallel_loop3A_205 : vector<16xf32>
          %parallel_loop3A_211 = arith.addf %parallel_loop3A_194, %parallel_loop3A_209 : vector<16xf32>
          %parallel_loop3A_212 = arith.constant 1 : i32
          %parallel_loop3A_213 = vector.broadcast %parallel_loop3A_212 : i32 to vector<16xi32>
          %parallel_loop3A_214 = arith.addi %parallel_loop3A_195, %parallel_loop3A_213 : vector<16xi32>
          %parallel_loop3A_215 = arith.constant 63 : i32
          %parallel_loop3A_216 = vector.broadcast %parallel_loop3A_215 : i32 to vector<16xi32>
          %parallel_loop3A_217 = arith.andi %parallel_loop3A_214, %parallel_loop3A_216 : vector<16xi32>
          scf.yield %parallel_loop3A_210, %parallel_loop3A_211, %parallel_loop3A_217 : vector<16xf32>, vector<16xf32>, vector<16xi32>
        } {sc.loop_unroll_factor = 8 : i64, sc.parallel_access}
        %add3A_185 = arith.addf %parallel_loop3A_184#0, %parallel_loop3A_184#1 : vector<16xf32>
        %mul3A_186 = arith.constant 16 : i32
        %mul3A_187 = arith.muli %scan3A_172, %mul3A_186 : i32
        %add3A_188 = arith.addi %mul3A_124, %mul3A_187 : i32
        %swap3A_189 = arith.index_cast %add3A_188 : i32 to index
        %swap3A_190 = tpu.vector_load %arg15[%swap3A_189] {strides = array<i32>} : memref<10000xf32, #tpu.memory_space<vmem>>, vector<16xf32>,
        tpu.vector_store %arg15[%swap3A_189], %add3A_185 {strides = array<i32>} : memref<10000xf32, #tpu.memory_space<vmem>>, vector<16xf32>,
        %scan3A_191 = arith.constant 0 : i32
        scf.yield %scan3A_191 : i32
      }
      %scan3A_131 = arith.constant 8 : i32
      %add3A_132 = arith.constant 1 : i32
      %add3A_133 = arith.addi %mul3A_83, %add3A_132 : i32
      %add3A_134 = arith.constant 3 : i32
      %add3A_135 = arith.addi %add3A_133, %add3A_134 : i32
      %lt3A_136 = arith.constant 78 : i32
      %lt3A_137 = arith.cmpi slt, %add3A_135, %lt3A_136 : i32
      %convert_element_type3A_138 = arith.extui %lt3A_137 : i1 to i32
      %cond3A_139 = arith.constant 0 : i32
      %cond3A_140 = arith.cmpi ne, %convert_element_type3A_138, %cond3A_139 : i32
      scf.if %cond3A_140 {
        %add3A_172 = arith.constant 1 : i32
        %add3A_173 = arith.addi %mul3A_83, %add3A_172 : i32
        %add3A_174 = arith.constant 3 : i32
        %add3A_175 = arith.addi %add3A_173, %add3A_174 : i32
        %mul3A_176 = arith.constant 128 : i32
        %mul3A_177 = arith.muli %add3A_175, %mul3A_176 : i32
        %dma_start3A_178 = tpu.memref_slice %arg5[%mul3A_177] : memref<10000xi32, #tpu.memory_space<vmem>> -> memref<128xi32, #tpu.memory_space<vmem>>
        %dma_start3A_179 = arith.constant 0 : i32
        %dma_start3A_180 = arith.constant 0 : i32
        %dma_start3A_181 = tpu.memref_slice %arg16[%dma_start3A_179, %dma_start3A_180] : memref<10000x64xi32, #tpu.memory_space<vmem_shared>> -> memref<10000x64xi32, #tpu.memory_space<vmem_shared>>
        tpu.enqueue_indirect_dma source(%dma_start3A_181 : memref<10000x64xi32, #tpu.memory_space<vmem_shared>>) target(%arg8 : memref<128x64xi32, #tpu.memory_space<vmem>>) offsets(%dma_start3A_178 : memref<128xi32, #tpu.memory_space<vmem>>) semaphore(%arg18 : memref<!tpu.dma_semaphore, #tpu.memory_space<semaphore_mem>>)
        %dma_start3A_182 = tpu.memref_slice %arg6[%mul3A_177] : memref<10000xi32, #tpu.memory_space<vmem>> -> memref<128xi32, #tpu.memory_space<vmem>>
        %dma_start3A_183 = arith.constant 0 : i32
        %dma_start3A_184 = arith.constant 0 : i32
        %dma_start3A_185 = tpu.memref_slice %arg16[%dma_start3A_183, %dma_start3A_184] : memref<10000x64xi32, #tpu.memory_space<vmem_shared>> -> memref<10000x64xi32, #tpu.memory_space<vmem_shared>>
        tpu.enqueue_indirect_dma source(%dma_start3A_185 : memref<10000x64xi32, #tpu.memory_space<vmem_shared>>) target(%arg11 : memref<128x64xi32, #tpu.memory_space<vmem>>) offsets(%dma_start3A_182 : memref<128xi32, #tpu.memory_space<vmem>>) semaphore(%arg18 : memref<!tpu.dma_semaphore, #tpu.memory_space<semaphore_mem>>)
      } else {
      }
      %dma_wait3A_141 = arith.constant 0 : i32
      %dma_wait3A_142 = tpu.memref_slice %arg5[%dma_wait3A_141] : memref<10000xi32, #tpu.memory_space<vmem>> -> memref<128xi32, #tpu.memory_space<vmem>>
      %dma_wait3A_143 = arith.constant 0 : i32
      %dma_wait3A_144 = arith.constant 0 : i32
      %dma_wait3A_145 = tpu.memref_slice %arg16[%dma_wait3A_143, %dma_wait3A_144] : memref<10000x64xi32, #tpu.memory_space<vmem_shared>> -> memref<10000x64xi32, #tpu.memory_space<vmem_shared>>
      tpu.wait_indirect_dma semaphore(%arg19 : memref<!tpu.dma_semaphore, #tpu.memory_space<semaphore_mem>>) src(%dma_wait3A_145 : memref<10000x64xi32, #tpu.memory_space<vmem_shared>>) dst(%arg9 : memref<128x64xi32, #tpu.memory_space<vmem>>)
      %dma_wait3A_146 = arith.constant 0 : i32
      %dma_wait3A_147 = tpu.memref_slice %arg6[%dma_wait3A_146] : memref<10000xi32, #tpu.memory_space<vmem>> -> memref<128xi32, #tpu.memory_space<vmem>>
      %dma_wait3A_148 = arith.constant 0 : i32
      %dma_wait3A_149 = arith.constant 0 : i32
      %dma_wait3A_150 = tpu.memref_slice %arg16[%dma_wait3A_148, %dma_wait3A_149] : memref<10000x64xi32, #tpu.memory_space<vmem_shared>> -> memref<10000x64xi32, #tpu.memory_space<vmem_shared>>
      tpu.wait_indirect_dma semaphore(%arg19 : memref<!tpu.dma_semaphore, #tpu.memory_space<semaphore_mem>>) src(%dma_wait3A_150 : memref<10000x64xi32, #tpu.memory_space<vmem_shared>>) dst(%arg12 : memref<128x64xi32, #tpu.memory_space<vmem>>)
      %add3A_151 = arith.constant 2 : i32
      %add3A_152 = arith.addi %mul3A_83, %add3A_151 : i32
      %mul3A_153 = arith.constant 128 : i32
      %mul3A_154 = arith.muli %add3A_152, %mul3A_153 : i32
      %scan3A_155 = arith.constant 0 : i32
      %scan3A_156 = arith.constant 0 : i32
      %scan3A_157 = arith.constant 8 : i32
      %scan3A_158 = arith.addi %scan3A_156, %scan3A_157 : i32
      %scan3A_159 = arith.constant 1 : i32
      %scan3A_160 = scf.for %scan3A_172 = %scan3A_156 to %scan3A_158 step %scan3A_159 iter_args(%scan3A_173 = %scan3A_155) -> (i32)  : i32 {
        %iota3A_174 = tpu.iota {dimensions = array<i32: 0>} : vector<16xi32>
        %mul3A_175 = arith.constant 16 : i32
        %mul3A_176 = arith.muli %scan3A_172, %mul3A_175 : i32
        %add3A_177 = vector.broadcast %mul3A_176 : i32 to vector<16xi32>
        %add3A_178 = arith.addi %iota3A_174, %add3A_177 : vector<16xi32>
        %broadcast_in_dim3A_179 = arith.constant 0.000000e+00 : f32
        %broadcast_in_dim3A_180 = vector.broadcast %broadcast_in_dim3A_179 : f32 to vector<16xf32>
        %parallel_loop3A_181 = arith.constant 0 : i32
        %parallel_loop3A_182 = arith.constant 64 : i32
        %parallel_loop3A_183 = arith.constant 1 : i32
        %parallel_loop3A_184:3 = scf.for %parallel_loop3A_192 = %parallel_loop3A_181 to %parallel_loop3A_182 step %parallel_loop3A_183 iter_args(%parallel_loop3A_193 = %broadcast_in_dim3A_180, %parallel_loop3A_194 = %broadcast_in_dim3A_180, %parallel_loop3A_195 = %iota3A_174) -> (vector<16xf32>, vector<16xf32>, vector<16xi32>)  : i32 {
          %parallel_loop3A_196 = tpu.vector_load_idx %arg9[%add3A_178, %parallel_loop3A_195] : memref<128x64xi32, #tpu.memory_space<vmem>>[vector<16xi32>, vector<16xi32>], vector<16xi32>,
          %parallel_loop3A_197 = tpu.vector_load_idx %arg12[%add3A_178, %parallel_loop3A_195] : memref<128x64xi32, #tpu.memory_space<vmem>>[vector<16xi32>, vector<16xi32>], vector<16xi32>,
          %parallel_loop3A_198 = vector.bitcast %parallel_loop3A_196 : vector<16xi32> to vector<32xbf16>
          %parallel_loop3A_199 = vector.bitcast %parallel_loop3A_197 : vector<16xi32> to vector<32xbf16>
          %parallel_loop3A_200 = arith.mulf %parallel_loop3A_198, %parallel_loop3A_199 : vector<32xbf16>
          %parallel_loop3A_201 = vector.bitcast %parallel_loop3A_200 : vector<32xbf16> to vector<16xi32>
          %parallel_loop3A_202 = arith.constant 16 : i32
          %parallel_loop3A_203 = vector.broadcast %parallel_loop3A_202 : i32 to vector<16xi32>
          %parallel_loop3A_204 = arith.shli %parallel_loop3A_201, %parallel_loop3A_203 : vector<16xi32>
          %parallel_loop3A_205 = vector.bitcast %parallel_loop3A_204 : vector<16xi32> to vector<16xf32>
          %parallel_loop3A_206 = arith.constant -65536 : i32
          %parallel_loop3A_207 = vector.broadcast %parallel_loop3A_206 : i32 to vector<16xi32>
          %parallel_loop3A_208 = arith.andi %parallel_loop3A_201, %parallel_loop3A_207 : vector<16xi32>
          %parallel_loop3A_209 = vector.bitcast %parallel_loop3A_208 : vector<16xi32> to vector<16xf32>
          %parallel_loop3A_210 = arith.addf %parallel_loop3A_193, %parallel_loop3A_205 : vector<16xf32>
          %parallel_loop3A_211 = arith.addf %parallel_loop3A_194, %parallel_loop3A_209 : vector<16xf32>
          %parallel_loop3A_212 = arith.constant 1 : i32
          %parallel_loop3A_213 = vector.broadcast %parallel_loop3A_212 : i32 to vector<16xi32>
          %parallel_loop3A_214 = arith.addi %parallel_loop3A_195, %parallel_loop3A_213 : vector<16xi32>
          %parallel_loop3A_215 = arith.constant 63 : i32
          %parallel_loop3A_216 = vector.broadcast %parallel_loop3A_215 : i32 to vector<16xi32>
          %parallel_loop3A_217 = arith.andi %parallel_loop3A_214, %parallel_loop3A_216 : vector<16xi32>
          scf.yield %parallel_loop3A_210, %parallel_loop3A_211, %parallel_loop3A_217 : vector<16xf32>, vector<16xf32>, vector<16xi32>
        } {sc.loop_unroll_factor = 8 : i64, sc.parallel_access}
        %add3A_185 = arith.addf %parallel_loop3A_184#0, %parallel_loop3A_184#1 : vector<16xf32>
        %mul3A_186 = arith.constant 16 : i32
        %mul3A_187 = arith.muli %scan3A_172, %mul3A_186 : i32
        %add3A_188 = arith.addi %mul3A_154, %mul3A_187 : i32
        %swap3A_189 = arith.index_cast %add3A_188 : i32 to index
        %swap3A_190 = tpu.vector_load %arg15[%swap3A_189] {strides = array<i32>} : memref<10000xf32, #tpu.memory_space<vmem>>, vector<16xf32>,
        tpu.vector_store %arg15[%swap3A_189], %add3A_185 {strides = array<i32>} : memref<10000xf32, #tpu.memory_space<vmem>>, vector<16xf32>,
        %scan3A_191 = arith.constant 0 : i32
        scf.yield %scan3A_191 : i32
      }
      %scan3A_161 = arith.constant 8 : i32
      %add3A_162 = arith.constant 2 : i32
      %add3A_163 = arith.addi %mul3A_83, %add3A_162 : i32
      %add3A_164 = arith.constant 3 : i32
      %add3A_165 = arith.addi %add3A_163, %add3A_164 : i32
      %lt3A_166 = arith.constant 78 : i32
      %lt3A_167 = arith.cmpi slt, %add3A_165, %lt3A_166 : i32
      %convert_element_type3A_168 = arith.extui %lt3A_167 : i1 to i32
      %cond3A_169 = arith.constant 0 : i32
      %cond3A_170 = arith.cmpi ne, %convert_element_type3A_168, %cond3A_169 : i32
      scf.if %cond3A_170 {
        %add3A_172 = arith.constant 2 : i32
        %add3A_173 = arith.addi %mul3A_83, %add3A_172 : i32
        %add3A_174 = arith.constant 3 : i32
        %add3A_175 = arith.addi %add3A_173, %add3A_174 : i32
        %mul3A_176 = arith.constant 128 : i32
        %mul3A_177 = arith.muli %add3A_175, %mul3A_176 : i32
        %dma_start3A_178 = tpu.memref_slice %arg5[%mul3A_177] : memref<10000xi32, #tpu.memory_space<vmem>> -> memref<128xi32, #tpu.memory_space<vmem>>
        %dma_start3A_179 = arith.constant 0 : i32
        %dma_start3A_180 = arith.constant 0 : i32
        %dma_start3A_181 = tpu.memref_slice %arg16[%dma_start3A_179, %dma_start3A_180] : memref<10000x64xi32, #tpu.memory_space<vmem_shared>> -> memref<10000x64xi32, #tpu.memory_space<vmem_shared>>
        tpu.enqueue_indirect_dma source(%dma_start3A_181 : memref<10000x64xi32, #tpu.memory_space<vmem_shared>>) target(%arg9 : memref<128x64xi32, #tpu.memory_space<vmem>>) offsets(%dma_start3A_178 : memref<128xi32, #tpu.memory_space<vmem>>) semaphore(%arg19 : memref<!tpu.dma_semaphore, #tpu.memory_space<semaphore_mem>>)
        %dma_start3A_182 = tpu.memref_slice %arg6[%mul3A_177] : memref<10000xi32, #tpu.memory_space<vmem>> -> memref<128xi32, #tpu.memory_space<vmem>>
        %dma_start3A_183 = arith.constant 0 : i32
        %dma_start3A_184 = arith.constant 0 : i32
        %dma_start3A_185 = tpu.memref_slice %arg16[%dma_start3A_183, %dma_start3A_184] : memref<10000x64xi32, #tpu.memory_space<vmem_shared>> -> memref<10000x64xi32, #tpu.memory_space<vmem_shared>>
        tpu.enqueue_indirect_dma source(%dma_start3A_185 : memref<10000x64xi32, #tpu.memory_space<vmem_shared>>) target(%arg12 : memref<128x64xi32, #tpu.memory_space<vmem>>) offsets(%dma_start3A_182 : memref<128xi32, #tpu.memory_space<vmem>>) semaphore(%arg19 : memref<!tpu.dma_semaphore, #tpu.memory_space<semaphore_mem>>)
      } else {
      }
      %scan3A_171 = arith.constant 0 : i32
      scf.yield %scan3A_171 : i32
    }
    %scan3A_52 = arith.constant 26 : i32
    %dma_wait3A = arith.constant 0 : i32
    %dma_wait3A_53 = tpu.memref_slice %arg5[%dma_wait3A] : memref<10000xi32, #tpu.memory_space<vmem>> -> memref<16xi32, #tpu.memory_space<vmem>>
    %dma_wait3A_54 = arith.constant 0 : i32
    %dma_wait3A_55 = arith.constant 0 : i32
    %dma_wait3A_56 = tpu.memref_slice %arg16[%dma_wait3A_54, %dma_wait3A_55] : memref<10000x64xi32, #tpu.memory_space<vmem_shared>> -> memref<10000x64xi32, #tpu.memory_space<vmem_shared>>
    tpu.wait_indirect_dma semaphore(%arg20 : memref<!tpu.dma_semaphore, #tpu.memory_space<semaphore_mem>>) src(%dma_wait3A_56 : memref<10000x64xi32, #tpu.memory_space<vmem_shared>>) dst(%arg13 : memref<16x64xi32, #tpu.memory_space<vmem>>)
    %dma_wait3A_57 = arith.constant 0 : i32
    %dma_wait3A_58 = tpu.memref_slice %arg6[%dma_wait3A_57] : memref<10000xi32, #tpu.memory_space<vmem>> -> memref<16xi32, #tpu.memory_space<vmem>>
    %dma_wait3A_59 = arith.constant 0 : i32
    %dma_wait3A_60 = arith.constant 0 : i32
    %dma_wait3A_61 = tpu.memref_slice %arg16[%dma_wait3A_59, %dma_wait3A_60] : memref<10000x64xi32, #tpu.memory_space<vmem_shared>> -> memref<10000x64xi32, #tpu.memory_space<vmem_shared>>
    tpu.wait_indirect_dma semaphore(%arg20 : memref<!tpu.dma_semaphore, #tpu.memory_space<semaphore_mem>>) src(%dma_wait3A_61 : memref<10000x64xi32, #tpu.memory_space<vmem_shared>>) dst(%arg14 : memref<16x64xi32, #tpu.memory_space<vmem>>)
    %scan3A_62 = arith.constant 0 : i32
    %scan3A_63 = arith.constant 0 : i32
    %iota3A = tpu.iota {dimensions = array<i32: 0>} : vector<16xi32>
    %mul3A_64 = arith.constant 16 : i32
    %mul3A_65 = arith.muli %scan3A_63, %mul3A_64 : i32
    %add3A_66 = vector.broadcast %mul3A_65 : i32 to vector<16xi32>
    %add3A_67 = arith.addi %iota3A, %add3A_66 : vector<16xi32>
    %broadcast_in_dim3A = arith.constant 0.000000e+00 : f32
    %broadcast_in_dim3A_68 = vector.broadcast %broadcast_in_dim3A : f32 to vector<16xf32>
    %parallel_loop3A = arith.constant 0 : i32
    %parallel_loop3A_69 = arith.constant 64 : i32
    %parallel_loop3A_70 = arith.constant 1 : i32
    %parallel_loop3A_71:3 = scf.for %parallel_loop3A_80 = %parallel_loop3A to %parallel_loop3A_69 step %parallel_loop3A_70 iter_args(%parallel_loop3A_81 = %broadcast_in_dim3A_68, %parallel_loop3A_82 = %broadcast_in_dim3A_68, %parallel_loop3A_83 = %iota3A) -> (vector<16xf32>, vector<16xf32>, vector<16xi32>)  : i32 {
      %parallel_loop3A_84 = tpu.vector_load_idx %arg13[%add3A_67, %parallel_loop3A_83] : memref<16x64xi32, #tpu.memory_space<vmem>>[vector<16xi32>, vector<16xi32>], vector<16xi32>,
      %parallel_loop3A_85 = tpu.vector_load_idx %arg14[%add3A_67, %parallel_loop3A_83] : memref<16x64xi32, #tpu.memory_space<vmem>>[vector<16xi32>, vector<16xi32>], vector<16xi32>,
      %parallel_loop3A_86 = vector.bitcast %parallel_loop3A_84 : vector<16xi32> to vector<32xbf16>
      %parallel_loop3A_87 = vector.bitcast %parallel_loop3A_85 : vector<16xi32> to vector<32xbf16>
      %parallel_loop3A_88 = arith.mulf %parallel_loop3A_86, %parallel_loop3A_87 : vector<32xbf16>
      %parallel_loop3A_89 = vector.bitcast %parallel_loop3A_88 : vector<32xbf16> to vector<16xi32>
      %parallel_loop3A_90 = arith.constant 16 : i32
      %parallel_loop3A_91 = vector.broadcast %parallel_loop3A_90 : i32 to vector<16xi32>
      %parallel_loop3A_92 = arith.shli %parallel_loop3A_89, %parallel_loop3A_91 : vector<16xi32>
      %parallel_loop3A_93 = vector.bitcast %parallel_loop3A_92 : vector<16xi32> to vector<16xf32>
      %parallel_loop3A_94 = arith.constant -65536 : i32
      %parallel_loop3A_95 = vector.broadcast %parallel_loop3A_94 : i32 to vector<16xi32>
      %parallel_loop3A_96 = arith.andi %parallel_loop3A_89, %parallel_loop3A_95 : vector<16xi32>
      %parallel_loop3A_97 = vector.bitcast %parallel_loop3A_96 : vector<16xi32> to vector<16xf32>
      %parallel_loop3A_98 = arith.addf %parallel_loop3A_81, %parallel_loop3A_93 : vector<16xf32>
      %parallel_loop3A_99 = arith.addf %parallel_loop3A_82, %parallel_loop3A_97 : vector<16xf32>
      %parallel_loop3A_100 = arith.constant 1 : i32
      %parallel_loop3A_101 = vector.broadcast %parallel_loop3A_100 : i32 to vector<16xi32>
      %parallel_loop3A_102 = arith.addi %parallel_loop3A_83, %parallel_loop3A_101 : vector<16xi32>
      %parallel_loop3A_103 = arith.constant 63 : i32
      %parallel_loop3A_104 = vector.broadcast %parallel_loop3A_103 : i32 to vector<16xi32>
      %parallel_loop3A_105 = arith.andi %parallel_loop3A_102, %parallel_loop3A_104 : vector<16xi32>
      scf.yield %parallel_loop3A_98, %parallel_loop3A_99, %parallel_loop3A_105 : vector<16xf32>, vector<16xf32>, vector<16xi32>
    } {sc.loop_unroll_factor = 8 : i64, sc.parallel_access}
    %add3A_72 = arith.addf %parallel_loop3A_71#0, %parallel_loop3A_71#1 : vector<16xf32>
    %mul3A_73 = arith.constant 16 : i32
    %mul3A_74 = arith.muli %scan3A_63, %mul3A_73 : i32
    %add3A_75 = arith.constant 9984 : i32
    %add3A_76 = arith.addi %add3A_75, %mul3A_74 : i32
    %swap3A = arith.index_cast %add3A_76 : i32 to index
    %swap3A_77 = tpu.vector_load %arg15[%swap3A] {strides = array<i32>} : memref<10000xf32, #tpu.memory_space<vmem>>, vector<16xf32>,
    tpu.vector_store %arg15[%swap3A], %add3A_72 {strides = array<i32>} : memref<10000xf32, #tpu.memory_space<vmem>>, vector<16xf32>,
    %scan3A_78 = arith.constant 0 : i32
    %scan3A_79 = arith.constant 1 : i32
    "tpu.region"() ({
      %run_scoped3A_80 = tpu.sem_alloc : memref<!tpu.dma_semaphore, #tpu.memory_space<semaphore_mem>>
      %dma_start3A_81 = tpu.memref_slice %arg4[%mul3A_2] : memref<320000xf32, #tpu.memory_space<hbm>> -> memref<10000xf32, #tpu.memory_space<hbm>>
      %dma_start3A_82 = tpu.memref_slice %arg4[%mul3A_2] : memref<320000xf32, #tpu.memory_space<hbm>> -> memref<10000xf32, #tpu.memory_space<hbm>>
      tpu.enqueue_dma source(%arg15 : memref<10000xf32, #tpu.memory_space<vmem>>) target(%dma_start3A_82 : memref<10000xf32, #tpu.memory_space<hbm>>) target_semaphore(%run_scoped3A_80 : memref<!tpu.dma_semaphore, #tpu.memory_space<semaphore_mem>>)
      %dma_wait3A_83 = tpu.memref_slice %arg4[%mul3A_2] : memref<320000xf32, #tpu.memory_space<hbm>> -> memref<10000xf32, #tpu.memory_space<hbm>>
      %dma_wait3A_84 = tpu.memref_slice %arg4[%mul3A_2] : memref<320000xf32, #tpu.memory_space<hbm>> -> memref<10000xf32, #tpu.memory_space<hbm>>
      tpu.wait_dma2 semaphore(%run_scoped3A_80 : memref<!tpu.dma_semaphore, #tpu.memory_space<semaphore_mem>>) src(%arg15 : memref<10000xf32, #tpu.memory_space<vmem>>) dst(%dma_wait3A_84 : memref<10000xf32, #tpu.memory_space<hbm>>)
      tpu.yield
    }) : () -> ()
    return
  }
}

module attributes {stable_mosaic.version = 14 : i64} {
  func.func @_normalize_block(%arg0: i32, %arg1: memref<1000x128xf32, #tpu.memory_space<vmem>>, %arg2: memref<1000x64xi32, #tpu.memory_space<vmem>>) attributes {dimension_semantics = [#tpu.dimension_semantics<arbitrary>], iteration_bounds = array<i64: 10>, scalar_prefetch = 0 : i64, scratch_operands = 0 : i64, tpu.core_type = #tpu.core_type<tc>, window_params = [{transform_indices = @transform_0, window_bounds = array<i64: 1000, 128>}, {transform_indices = @transform_1, window_bounds = array<i64: 1000, 64>}]} {
    %get3A = arith.constant 0 : index
    %get3A_0 = arith.constant 0 : index
    %get3A_1 = vector.load %arg1[%get3A, %get3A_0] : memref<1000x128xf32, #tpu.memory_space<vmem>>, vector<1000x128xf32>
    %max3A = arith.constant 0.000000e+00 : f32
    %max3A_2 = vector.broadcast %max3A : f32 to vector<1000x128xf32>
    %max3A_3 = arith.maximumf %get3A_1, %max3A_2 : vector<1000x128xf32>
    %add3A = arith.constant 9.99999997E-7 : f32
    %add3A_4 = vector.broadcast %add3A : f32 to vector<1000x128xf32>
    %add3A_5 = arith.addf %max3A_3, %add3A_4 : vector<1000x128xf32>
    %mul3A = arith.mulf %add3A_5, %add3A_5 : vector<1000x128xf32>
    %reduce_sum3A = arith.constant dense<0.000000e+00> : vector<1000xf32>
    %reduce_sum3A_6 = vector.multi_reduction <add>, %mul3A, %reduce_sum3A [1] : vector<1000x128xf32> to vector<1000xf32>
    %broadcast_in_dim3A = vector.shape_cast %reduce_sum3A_6 : vector<1000xf32> to vector<1000x1xf32>
    %sqrt3A = math.sqrt %broadcast_in_dim3A : vector<1000x1xf32>
    %max3A_7 = arith.constant 9.99999996E-13 : f32
    %max3A_8 = vector.broadcast %max3A_7 : f32 to vector<1000x1xf32>
    %max3A_9 = arith.maximumf %sqrt3A, %max3A_8 : vector<1000x1xf32>
    %div3A = vector.broadcast %max3A_9 : vector<1000x1xf32> to vector<1000x128xf32>
    %div3A_10 = arith.divf %add3A_5, %div3A : vector<1000x128xf32>
    %convert_element_type3A = arith.truncf %div3A_10 : vector<1000x128xf32> to vector<1000x128xbf16>
    %slice3A = vector.extract_strided_slice %convert_element_type3A {offsets = [0, 0], sizes = [1000, 64], strides = [1, 1]} : vector<1000x128xbf16> to vector<1000x64xbf16>
    %bitcast_convert_type3A = tpu.bitcast %slice3A : vector<1000x64xbf16> -> vector<1000x64xi16>
    %convert_element_type3A_11 = arith.extui %bitcast_convert_type3A : vector<1000x64xi16> to vector<1000x64xi32>
    %slice3A_12 = vector.extract_strided_slice %convert_element_type3A {offsets = [0, 64], sizes = [1000, 64], strides = [1, 1]} : vector<1000x128xbf16> to vector<1000x64xbf16>
    %bitcast_convert_type3A_13 = tpu.bitcast %slice3A_12 : vector<1000x64xbf16> -> vector<1000x64xi16>
    %convert_element_type3A_14 = arith.extui %bitcast_convert_type3A_13 : vector<1000x64xi16> to vector<1000x64xi32>
    %shift_left3A = arith.constant 16 : i32
    %shift_left3A_15 = vector.broadcast %shift_left3A : i32 to vector<1000x64xi32>
    %shift_left3A_16 = arith.shli %convert_element_type3A_14, %shift_left3A_15 : vector<1000x64xi32>
    %or3A = arith.ori %convert_element_type3A_11, %shift_left3A_16 : vector<1000x64xi32>
    %swap3A = arith.constant 0 : index
    %swap3A_17 = arith.constant 0 : index
    %swap3A_18 = vector.load %arg2[%swap3A, %swap3A_17] : memref<1000x64xi32, #tpu.memory_space<vmem>>, vector<1000x64xi32>
    tpu.vector_store %arg2[%swap3A, %swap3A_17], %or3A {strides = array<i32>} : memref<1000x64xi32, #tpu.memory_space<vmem>>, vector<1000x64xi32>,
    return
  }
  func.func @transform_0(%arg0: i32) -> (i32, i32) {
    %c0_i32 = arith.constant 0 : i32
    %c0_i32_0 = arith.constant 0 : i32
    return %arg0, %c0_i32 : i32, i32
  }
  func.func @transform_1(%arg0: i32) -> (i32, i32) {
    %c0_i32 = arith.constant 0 : i32
    %c0_i32_0 = arith.constant 0 : i32
    return %arg0, %c0_i32 : i32, i32
  }
}

</mosaic_0001>

<sc_bundles>
// kernel: kernel.4.cloned.1.call-start
scs
__scs_entry_jumppad:
0x0: {  	(pc) =	sbr.rel $0x88, $3  }
0x1: {  	(tag) =	ssettag $0x0;
	lr =	simm.s32 $0x1  }
0x2: {  	[smem:$0x3F9F] =	sst lr;
	_ =	strace $0xD0000000  }
0x3: {  	_ = 	snop  }
0x4: {  	_ = 	snop  }
0x5: {  	_ = 	snop  }
0x6: {  	_ = 	snop  }
0x7: {  	_ = 	snop  }
__scs_overlays_trampoline_lowered:
0x8: {  	[smem:$0x3FAE] =	sst s0  }
0x9: {  	[smem:$0x3FAF] =	sst s1  }
0xa: {  	[smem:$0x3FB0] =	sst s2  }
0xb: {  	[smem:$0x3FB1] =	sst s3  }
0xc: {  	[smem:$0x3FB2] =	sst s4  }
0xd: {  	[smem:$0x3FB3] =	sst s5  }
0xe: {  	[smem:$0x3FB4] =	sst s6  }
0xf: {  	[smem:$0x3FB5] =	sst s7  }
0x10: {  	[smem:$0x3FB6] =	sst s8  }
0x11: {  	[smem:$0x3FB7] =	sst s9;
	s0 =	simm.s32 @!p0 $0x0  }
0x12: {  	s1 =	sld [smem:$0x3F9D];
	s0 =	simm.s32 @p0 $0x1  }
0x13: {  	[smem:$0x3FB8] =	sst s0;
	s0 =	simm.s32 @!p1 $0x0  }
0x14: {  	s2 =	sld [smem:$0x3F9C];
	s0 =	simm.s32 @p1 $0x1  }
0x15: {  	[smem:$0x3FB9] =	sst s0;
	s0 =	simm.s32 @!p2 $0x0  }
0x16: {  	s3 =	sld [smem:$0x3FDB];
	s0 =	simm.s32 @p2 $0x1  }
0x17: {  	s4 =	simm.s32 $0x1BF5;
	[smem:$0x3FBB] =	sst s0  }
0x18: {  	s0 =	sld [smem:$0x3F9E];
	_ =	swait.ge [sflag:s4], $0x0  }
0x19: {  	s7 =	sld [smem:$0x3F9F]  }
0x1a: {  	s8 =	sadd.s32 $0xFFFFE003, lr  }
0x1b: {  	s9 =	sadd.s32 $0xFFFFFEF7, lr;
	s5 =	simm.s32 $0xFFFFFFFF;
	p2 =	slt.u32 s8, $0xFFFFF086  }
0x1c: {  	p1 =	slt.u32 s9, $0xF7A;
	s5 =	simm.s32 @!p2 $0x0  }
0x1d: {  	s5 =	simm.s32 @p1 $0x1;
	p0 =	seq.s32 s7, s2  }
0x1e: {  	s7 =	smul.u32 @!p0 $0xF7A, s2;
	p2 =	seq.s32 @!p0 s5, $0x0  }
0x1f: {  	s9 =	smul.u32 $0xF7A, s1;
	s8 =	simm.s32 @!p0 $0x1BF5;
	p2 =	por !p2, p0  }
0x20: {  	[sflag:s8] =	ssyncset.s32 @!p0 $0xFFFFF086;
	s6 =	sadd.s32 @!p0 s3, s7;
	s7 =	simm.s32 @!p0 $0x108  }
0x21: {  	s3 =	sadd.s32 s3, s9;
	s6 =	sadd.s32 @!p0 $0x88, s6;
	s7 =	simm.s32 @p2 $0x1082  }
0x22: {  	[simem:s7], [sflag:s8] =	dma.local @!p0 [hbm:s6], $0xF7A  }
0x23: {  	s9 =	sor.u32 $0xD0000000, s2;
	s6 =	simm.s32 $0x108;
	_ =	swait.ge @!p0 [sflag:s8], $0x0  }
0x24: {  	s3 =	sadd.s32 $0x88, s3;
	s6 =	simm.s32 @!p1 $0x1082;
	[sflag:s4] =	ssyncset.s32 $0xFFFFF086  }
0x25: {  	[simem:s6], [sflag:s4] =	dma.local [hbm:s3], $0xF7A  }
0x26: {  	[smem:$0x3F9F] =	sst s1;
	(tag) =	ssettag s2;
	_ =	strace s9  }
0x27: {  	s1 =	sld [smem:$0x3FAF]  }
0x28: {  	s2 =	sld [smem:$0x3FB0]  }
0x29: {  	s4 =	sld [smem:$0x3FB2]  }
0x2a: {  	p0 =	seq.s32 s5, $0x0;
	s5 =	sld [smem:$0x3FB3]  }
0x2b: {  	s6 =	sld [smem:$0x3FB4]  }
0x2c: {  	s7 =	sld [smem:$0x3FB5]  }
0x2d: {  	s3 =	simm.s32 $0x108;
	s8 =	sld [smem:$0x3FB6]  }
0x2e: {  	s3 =	simm.s32 @!p0 $0x1082;
	s9 =	sld [smem:$0x3FB7]  }
0x2f: {  	lr =	sadd.s32 s0, s3;
	s0 =	sld [smem:$0x3FAE]  }
0x30: {  	s3 =	sld [smem:$0x3FB1]  }
0x31: {  	[smem:$0x3FBA] =	sst s10  }
0x32: {  	s10 =	sld [smem:$0x3FB8];
	_ =	sdelay $0x3  }
0x33: {  	p0 =	seq.s32 s10, $0x1;
	s10 =	sld [smem:$0x3FBA];
	_ =	sdelay $0x3  }
0x34: {  	[smem:$0x3FBA] =	sst s10  }
0x35: {  	s10 =	sld [smem:$0x3FB9];
	_ =	sdelay $0x3  }
0x36: {  	p1 =	seq.s32 s10, $0x1;
	s10 =	sld [smem:$0x3FBA];
	_ =	sdelay $0x3  }
0x37: {  	[smem:$0x3FBA] =	sst s10  }
0x38: {  	s10 =	sld [smem:$0x3FBB]  }
0x39: {  	_ = 	snop;
	(pc) =	sbr.ind lr, $3  }
0x3a: {  	_ = 	snop  }
0x3b: {  	_ = 	snop  }
0x3c: {  	p2 =	seq.s32 s10, $0x1;
	s10 =	sld [smem:$0x3FBA]  }
0x3d: {  	_ =	shalt  }
0x3e: {  	_ =	shalt  }
0x3f: {  	_ =	shalt  }
0x40: {  	_ =	shalt  }
0x41: {  	_ =	shalt  }
0x42: {  	_ =	shalt  }
0x43: {  	_ =	shalt  }
0x44: {  	_ =	shalt  }
0x45: {  	_ =	shalt  }
0x46: {  	_ =	shalt  }
0x47: {  	_ =	shalt  }
0x48: {  	_ =	shalt  }
0x49: {  	_ =	shalt  }
0x4a: {  	_ =	shalt  }
0x4b: {  	_ =	shalt  }
0x4c: {  	_ =	shalt  }
0x4d: {  	_ =	shalt  }
0x4e: {  	_ =	shalt  }
0x4f: {  	_ =	shalt  }
0x50: {  	_ =	shalt  }
0x51: {  	_ =	shalt  }
0x52: {  	_ =	shalt  }
0x53: {  	_ =	shalt  }
0x54: {  	_ =	shalt  }
0x55: {  	_ =	shalt  }
0x56: {  	_ =	shalt  }
0x57: {  	_ =	shalt  }
0x58: {  	_ =	shalt  }
0x59: {  	_ =	shalt  }
0x5a: {  	_ =	shalt  }
0x5b: {  	_ =	shalt  }
0x5c: {  	_ =	shalt  }
0x5d: {  	_ =	shalt  }
0x5e: {  	_ =	shalt  }
0x5f: {  	_ =	shalt  }
0x60: {  	_ =	shalt  }
0x61: {  	_ =	shalt  }
0x62: {  	_ =	shalt  }
0x63: {  	_ =	shalt  }
0x64: {  	_ =	shalt  }
0x65: {  	_ =	shalt  }
0x66: {  	_ =	shalt  }
0x67: {  	_ =	shalt  }
0x68: {  	_ =	shalt  }
0x69: {  	_ =	shalt  }
0x6a: {  	_ =	shalt  }
0x6b: {  	_ =	shalt  }
0x6c: {  	_ =	shalt  }
0x6d: {  	_ =	shalt  }
0x6e: {  	_ =	shalt  }
0x6f: {  	_ =	shalt  }
0x70: {  	_ =	shalt  }
0x71: {  	_ =	shalt  }
0x72: {  	_ =	shalt  }
0x73: {  	_ =	shalt  }
0x74: {  	_ =	shalt  }
0x75: {  	_ =	shalt  }
0x76: {  	_ =	shalt  }
0x77: {  	_ =	shalt  }
0x78: {  	_ =	shalt  }
0x79: {  	_ =	shalt  }
0x7a: {  	_ =	shalt  }
0x7b: {  	_ =	shalt  }
0x7c: {  	_ =	shalt  }
0x7d: {  	_ =	shalt  }
0x7e: {  	_ =	shalt  }
0x7f: {  	_ =	shalt  }
0x80: {  	_ =	shalt  }
0x81: {  	_ =	shalt  }
0x82: {  	_ =	shalt  }
0x83: {  	_ =	shalt  }
0x84: {  	_ =	shalt  }
0x85: {  	_ =	shalt  }
0x86: {  	_ =	shalt  }
0x87: {  	_ =	shalt  }
.Lfunc_end0:
.L_simem_size_0:
called_computation_lowered:
.L_overlay_start_0:
0x88: {  	s2 =	sld [smem:$0x3FD9]  }
0x89: {  	s3 =	sld [smem:$0x3FFE];
	_ =	sdelay $0x1  }
0x8a: {  	s1 =	srdreg.scid  }
0x8b: {  	s0 =	sand.u32 $0x1, s1  }
0x8c: {  	s17 =	sshll.u32 s0, $0xA;
	s2 =	sadd.s32 s3, s2  }
0x8d: {  	s2 =	sadd.s32 s2, s17  }
0x8e: {  	[smem:$0x3FC6] =	sst s2  }
0x8f: {  	_ = 	snop  }
0x90: {  	s2 =	sld [smem:$0x3FD0];
	(tm) =	ssettm $0x1  }
0x91: {  	s18 =	sld [smem:$0x3FFB];
	_ =	sdelay $0x3  }
0x92: {  	_ =	strace s18  }
0x93: {  	s3 =	sld [smem:$0x3FFC];
	_ =	sdelay $0x3  }
0x94: {  	_ =	strace s3  }
0x95: {  	s3 =	sld [smem:$0x3FFD];
	_ =	sdelay $0x3  }
0x96: {  	_ =	strace s3  }
0x97: {  	_ =	strace $0x8FFFFFFF  }
0x98: {  	s19 =	sld [smem:$0x3FDB];
	_ =	sdelay $0x1  }
0x99: {  	s4 =	simm.s32 $_scs_section_size  }
0x9a: {  	s5 =	simm.s32 $_size__tile_overlayer_lowered;
	s6 =	simm.s32 $_tile_overlayer_lowered  }
0x9b: {  	s22 =	simm.s32 $0x1BFF;
	s21 =	sshll.u32 s6, $0x1;
	s3 =	sadd.s32 s4, s19  }
0x9c: {  	s7 =	simm.s32 $0x0;
	s20 =	sshll.u32 s5, $0x1;
	s5 =	sadd.s32 s21, s3  }
0x9d: {  	[timem:s7], [sflag:s22] =	dma.local [hbm:s5], s20  }
0x9e: {  	_ =	swait.ge [sflag:s22], s20  }
0x9f: {  	s4 =	ssub.s32 $0x0, s20;
	[sflag:s22] =	ssyncset.done $0x0  }
0xa0: {  	[sflag:s22] =	ssyncadd.s32 s4;
	_ =	sdelay $0x1  }
0xa1: {  	s23 =	simm.s32 $0x1B8B  }
0xa2: {  	_ =	swait.ge [sflag:s23], $0x1  }
0xa3: {  	[sflag:s23] =	ssyncset.done $0x0  }
0xa4: {  	s25 =	simm.s32 $0x1B8E;
	s24 =	sld [smem:$0x3FFE];
	[sflag:s23] =	ssyncadd.s32 $0xFFFFFFFF  }
0xa5: {  	s26 =	simm.s32 $execute0_lowered;
	[smem:$0x3FD2] =	sst s25  }
0xa6: {  	s5 =	sshll.u32 s26, $0x1;
	_ =	strace $0x80000046;
	[dreg:$0x1] =	wrdreg $0xFFFFFFFF  }
0xa7: {  	s28 =	simm.s32 $_size_execute0_lowered;
	s3 =	sadd.s32 s3, s5;
	[dreg:$0x0] =	wrdreg $0x0  }
0xa8: {  	s5 =	sshll.u32 s28, $0x1;
	[dreg:$0x2] =	wrdreg s3  }
0xa9: {  	[dreg:$0x3] =	wrdreg s5  }
0xaa: {  	[dreg:$0x4] =	wrdreg $0xC0  }
0xab: {  	_ =	task [dreg:s7], $0x5FFFF  }
0xac: {  	[dreg:$0x1] =	wrdreg $0xFFFFFFFF  }
0xad: {  	[dreg:$0x0] =	wrdreg $0x60  }
0xae: {  	[dreg:$0x2] =	wrdreg s24  }
0xaf: {  	[dreg:$0x3] =	wrdreg s2  }
0xb0: {  	[dreg:$0x4] =	wrdreg $0x13D300  }
0xb1: {  	[dreg:$0x5] =	wrdreg $0x9  }
0xb2: {  	_ =	task.clear_ibuf [dreg:s7], $0x6FFFF;
	_ =	strace $0x90000046  }
0xb3: {  	s29 =	simm.s32 $0x9;
	_ =	strace $0x80000048  }
0xb4: {  	_ =	swait.ge [sflag:s29], $0x1  }
0xb5: {  	[sflag:s29] =	ssyncadd.s32 $0xFFFFFFFF  }
0xb6: {  	_ =	strace $0x90000048  }
0xb7: {  	_ =	sfence  }
0xb8: {  	s30 =	sld [smem:$0x0];
	_ =	sdelay $0x2  }
0xb9: {  	s31 =	sshll.u32 s1, $0xD;
	s1 =	sshrl.u32 s1, $0x2  }
0xba: {  	s3 =	sand.u32 $0x4000, s31;
	s1 =	sadd.s32 s1, s30  }
0xbb: {  	s0 =	sor.u32 s3, s0;
	s1 =	sshll.u32 s1, $0x11  }
0xbc: {  	s0 =	sor.u32 s1, s0  }
0xbd: {  	s0 =	sadd.s32 $0x8F2B, s0  }
0xbe: {  	[sflag:s0] =	ssyncadd.remote.s32 $0x1  }
0xbf: {  	_ =	sfence.sel $0xFFFF  }
0xc0: {  	[dreg:$0x0] =	wrdreg $0xFFFFFFFF;
	(pc) =	sbr.abs _section_cstart, $3  }
0xc1: {  	[dreg:$0x1] =	wrdreg $0xFFFFFFFF  }
0xc2: {  	_ =	task.clear_ibuf [dreg:s7], $0x2FFFF;
	_ =	strace $0x9FFFFFFF  }
0xc3: {  	(tm) =	ssettm $0x7FFFFFFF  }
tec
execute0_lowered:
.L_overlay_start_1:
0x0: {  	(tag) =	ssettag $0x1  }
0x1: {  	s0 =	rddreg [dreg:$0x0]  }
0x2: {  	s1 =	rddreg [dreg:$0x1]  }
0x3: {  	s2 =	rddreg [dreg:$0x2]  }
0x4: {  	s10 =	stileid.u32;
	s3 =	srdreg.scid;
	s13 =	simm.s32 $0x80  }
0x5: {  	s14 =	simm.s32 $0x4E20;
	s15 =	simm.s32 $0xAE20;
	s16 =	simm.s32 $0x6E20  }
0x6: {  	s18 =	simm.s32 $0xCE20;
	s20 =	simm.s32 $0x8E20;
	s22 =	simm.s32 $0xEE20  }
0x7: {  	s23 =	simm.s32 $0x10;
	s28 =	simm.s32 $0x11220;
	s29 =	simm.s32 $0x1  }
0x8: {  	s30 =	simm.s32 $0x2;
	s31 =	simm.s32 $0x3;
	s17 =	simm.s32 $0x0  }
0x9: {  	s4 =	sand.u32 $0x1, s3;
	s5 =	sshll.u32 s10, $0x1;
	s3 =	simm.s32 $0x0  }
0xa: {  	s6 =	smul.u32 $0x9C40, s10;
	s26 =	sshll.u32 s10, $0x6;
	s5 =	sor.u32 s4, s5  }
0xb: {  	[smem:$0x7FF] =	sst s3;
	s4 =	ssub.s32 $0x2, s4;
	s11 =	sor.u32 $0x1C05, s26  }
0xc: {  	s5 =	smul.u32 $0x2710, s5;
	_ =	strace $0x80000047;
	s7 =	sshrl.u32 s6, $0x3  }
0xd: {  	s24 =	sshrl.u32 s4, $0x1;
	s25 =	sadd.s32 s6, s2;
	s7 =	sadd.s32 s7, s0  }
0xe: {  	s9 =	ssub.s32 s4, s24;
	s12 =	sshrl.u32 s25, $0x3;
	s8 =	sshrl.u32 s5, $0x3  }
0xf: {  	s25 =	simm.s32 $0x10E20;
	s6 =	sadd.s32 $0x800, s7;
	s0 =	sadd.s32 s8, s0  }
0x10: {  	v0 =	vlaneseq.u32;
	s7 =	sadd.s32 s1, s8;
	s8 =	smax.u32 s9, $0x1;
	s9 =	simm.s32 $0x5  }
0x11: {  	v0 =	vmul.u32 $0x40, v0;
	s4 =	sadd.s32 $0x14200, s0;
	s5 =	sadd.s32 $0x1DE40, s0;
	s0 =	simm.s32 $0x4  }
.LBB2_1:
0x12: {  	[tilespmem:s3], [sflag:$0x5] =	stream.linear.gather [hbm4b:s4+s3], $0x2710, $0x38;
	[tilespmem:$0x1D970] =	vst v63  }
0x13: {  	_ =	swait.ge [sflag:s9], $0x2710  }
0x14: {  	[sflag:s9] =	ssyncset.done $0x0  }
0x15: {  	s1 =	simm.s32 $0x2710;
	[sflag:s9] =	ssyncadd.s32 $0xFFFFD8F0  }
0x16: {  	[tilespmem:s1], [sflag:$0x5] =	stream.linear.gather [hbm4b:s5+s3], $0x2710, $0x38;
	[tilespmem:$0x1D970] =	vst v63  }
0x17: {  	_ =	swait.ge [sflag:s9], $0x2710  }
0x18: {  	[sflag:s9] =	ssyncset.done $0x0  }
0x19: {  	[sflag:s9] =	ssyncadd.s32 $0xFFFFD8F0  }
0x1a: {  	[spmem:s12], [sflag:s11] =	dma.local [hbm:s6], $0x1388  }
0x1b: {  	_ =	swait.ge [sflag:s9], $0x1388  }
0x1c: {  	[sflag:s9] =	ssyncset.done $0x0  }
0x1d: {  	[sflag:s9] =	ssyncadd.s32 $0xFFFFEC78  }
0x1e: {  	[bflag:$0x0] =	sbarrier.arrive $0xFFFF  }
0x1f: {  	[tilespmem:s14], [sflag:$0x1] =	stream.indirect.gather [spmem:s2], $0x40, s3, s13, $0xb8;
	[tilespmem:$0x1D970] =	vst v63  }
0x20: {  	_ = 	snop  }
0x21: {  	[tilespmem:s15], [sflag:$0x1] =	stream.indirect.gather [spmem:s2], $0x40, s1, s13, $0xb8;
	[tilespmem:$0x1D970] =	vst v63  }
0x22: {  	_ = 	snop  }
0x23: {  	[tilespmem:s16], [sflag:$0x2] =	stream.indirect.gather [spmem:s2], $0x40, s13, s13, $0xb8;
	[tilespmem:$0x1D970] =	vst v63  }
0x24: {  	s10 =	simm.s32 $0x2790  }
0x25: {  	[tilespmem:s18], [sflag:$0x2] =	stream.indirect.gather [spmem:s2], $0x40, s10, s13, $0xb8;
	[tilespmem:$0x1D970] =	vst v63  }
0x26: {  	s19 =	simm.s32 $0x100  }
0x27: {  	[tilespmem:s20], [sflag:$0x3] =	stream.indirect.gather [spmem:s2], $0x40, s19, s13, $0xb8;
	[tilespmem:$0x1D970] =	vst v63  }
0x28: {  	s21 =	simm.s32 $0x2810  }
0x29: {  	[tilespmem:s22], [sflag:$0x3] =	stream.indirect.gather [spmem:s2], $0x40, s21, s13, $0xb8;
	[tilespmem:$0x1D970] =	vst v63  }
0x2a: {  	s24 =	simm.s32 $0x2700  }
0x2b: {  	[tilespmem:s25], [sflag:$0x4] =	stream.indirect.gather [spmem:s2], $0x40, s24, s23, $0xb8;
	[tilespmem:$0x1D970] =	vst v63  }
0x2c: {  	s26 =	simm.s32 $0x4E10;
	s19 =	simm.s32 $0x0  }
0x2d: {  	[tilespmem:s28], [sflag:$0x4] =	stream.indirect.gather [spmem:s2], $0x40, s26, s23, $0xb8;
	[tilespmem:$0x1D970] =	vst v63  }
.LBB2_2:
0x2e: {  	_ =	swait.ge [sflag:s29], $0x2000  }
0x2f: {  	s1 =	smul.u32 $0x600, s19;
	[sflag:s29] =	ssyncset.done $0x0  }
0x30: {  	[sflag:s29] =	ssyncadd.s32 $0xFFFFE000  }
0x31: {  	s21 =	sshra.s32 s1, $0x2;
	_ =	swait.ge [sflag:s29], $0x2000  }
0x32: {  	s1 =	sadd.s32 $0x11620, s21;
	[sflag:s29] =	ssyncset.done $0x0  }
0x33: {  	s24 =	simm.s32 $0x0;
	v1 =	vmov s1;
	[sflag:s29] =	ssyncadd.s32 $0xFFFFE000  }
.LBB2_3:
0x34: {  	s26 =	sshll.u32 s24, $0x4;
	v3 =	vlaneseq.u32  }
0x35: {  	v2 =	vmov s26;
	v4 =	vmul.u32 $0x40, v3  }
0x36: {  	v2 =	vshll.u32 v2, $0x6  }
0x37: {  	v2 =	vor.u32 v4, v2  }
0x38: {  	v5 =	vadd.s32 $0x1, v3;
	v4 =	vor.u32 v2, v3  }
0x39: {  	v5 =	vand.u32 $0x3F, v5  }
0x3a: {  	v6 =	vadd.s32 $0x2, v3;
	v5 =	vor.u32 v2, v5  }
0x3b: {  	v6 =	vand.u32 $0x3F, v6  }
0x3c: {  	v6 =	vor.u32 v2, v6  }
0x3d: {  	v8 =	vadd.s32 $0x3, v3;
	v7 =	vld.idx.msk [tilespmem:v4+s14+$0x0], $0xffff  }
0x3e: {  	v8 =	vand.u32 $0x3F, v8;
	v4 =	vld.idx.msk [tilespmem:v4+s15+$0x0], $0xffff  }
0x3f: {  	v10 =	vadd.s32 $0x4, v3;
	v8 =	vor.u32 v2, v8;
	v9 =	vld.idx.msk [tilespmem:v5+s14+$0x0], $0xffff  }
0x40: {  	v10 =	vand.u32 $0x3F, v10;
	v5 =	vld.idx.msk [tilespmem:v5+s15+$0x0], $0xffff  }
0x41: {  	v10 =	vor.u32 v2, v10;
	v11 =	vld.idx.msk [tilespmem:v6+s14+$0x0], $0xffff  }
0x42: {  	v12 =	vadd.s32 $0x5, v3;
	v6 =	vld.idx.msk [tilespmem:v6+s15+$0x0], $0xffff  }
0x43: {  	v12 =	vand.u32 $0x3F, v12  }
0x44: {  	v12 =	vor.u32 v2, v12;
	v4 =	vmul.bf16 v4, v7;
	v7 =	vld.idx.msk [tilespmem:v8+s15+$0x0], $0xffff  }
0x45: {  	v13 =	vimm.f32 $0.0e+00;
	v14 =	vadd.s32 $0x6, v3;
	v15 =	vadd.s32 $0x7, v3;
	v8 =	vld.idx.msk [tilespmem:v8+s14+$0x0], $0xffff  }
0x46: {  	v14 =	vand.u32 $0x3F, v14;
	v3 =	vadd.s32 $0x8, v3;
	v5 =	vmul.bf16 v5, v9;
	v9 =	vld.idx.msk [tilespmem:v10+s14+$0x0], $0xffff  }
0x47: {  	v14 =	vor.u32 v2, v14;
	v3 =	vand.u32 $0x3F, v3;
	v6 =	vmul.bf16 v6, v11;
	v10 =	vld.idx.msk [tilespmem:v10+s15+$0x0], $0xffff  }
0x48: {  	v16 =	vshll.u32 v4, $0x10;
	v4 =	vand.u32 $0xFFFF0000, v4;
	v11 =	vshll.u32 v5, $0x10  }
0x49: {  	v18 =	vld.idx.msk [tilespmem:v12+s15+$0x0], $0xffff;
	v5 =	vand.u32 $0xFFFF0000, v5;
	v17 =	vshll.u32 v6, $0x10;
	v16 =	vadd.f32 v16, v13  }
0x4a: {  	v6 =	vand.u32 $0xFFFF0000, v6;
	v4 =	vadd.f32 v4, v13;
	v13 =	vld.idx.msk [tilespmem:v12+s14+$0x0], $0xffff;
	v12 =	vand.u32 $0x3F, v15  }
0x4b: {  	v15 =	vadd.f32 v11, v16;
	v7 =	vmul.bf16 v7, v8;
	v8 =	vor.u32 v2, v12  }
0x4c: {  	v4 =	vadd.f32 v5, v4;
	v11 =	vor.u32 v2, v3;
	v10 =	vmul.bf16 v10, v9  }
0x4d: {  	v16 =	vshll.u32 v7, $0x10;
	v19 =	vand.u32 $0xFFFF0000, v7;
	v7 =	vadd.s32 $0x1, v3  }
0x4e: {  	v5 =	vld.idx.msk [tilespmem:v14+s14+$0x0], $0xffff;
	v9 =	vadd.f32 v17, v15;
	v15 =	vadd.f32 v6, v4;
	v7 =	vand.u32 $0x3F, v7  }
0x4f: {  	v12 =	vld.idx.msk [tilespmem:v14+s15+$0x0], $0xffff;
	v20 =	vshll.u32 v10, $0x10;
	v6 =	vor.u32 v2, v7;
	v7 =	vadd.s32 $0x2, v3  }
0x50: {  	v18 =	vmul.bf16 v18, v13;
	v16 =	vadd.f32 v16, v9;
	v4 =	vld.idx.msk [tilespmem:v8+s14+$0x0], $0xffff;
	v7 =	vand.u32 $0x3F, v7  }
0x51: {  	v17 =	vadd.s32 $0x3, v3;
	v14 =	vadd.f32 v19, v15;
	v8 =	vld.idx.msk [tilespmem:v8+s15+$0x0], $0xffff;
	v7 =	vor.u32 v2, v7  }
0x52: {  	s1 =	simm.s32 $0x8;
	v13 =	vand.u32 $0xFFFF0000, v18;
	v9 =	vld.idx.msk [tilespmem:v11+s14+$0x0], $0xffff;
	v15 =	vadd.f32 v20, v16;
	v16 =	vshll.u32 v18, $0x10  }
.LBB2_4:
0x53: {  	s1 =	sadd.s32 $0x8, s1;
	v11 =	vld.idx.msk [tilespmem:v11+s15+$0x0], $0xffff;
	v17 =	vand.u32 $0x3F, v17;
	v18 =	vadd.s32 $0x4, v3;
	v10 =	vand.u32 $0xFFFF0000, v10  }
0x54: {  	v5 =	vmul.bf16 v12, v5;
	p0 =	slt.u32 s1, $0x38;
	v19 =	vld.idx.msk [tilespmem:v6+s14+$0x0], $0xffff;
	v17 =	vor.u32 v2, v17;
	v10 =	vadd.f32 v10, v14  }
0x55: {  	v12 =	vand.u32 $0x3F, v18;
	v14 =	vadd.s32 $0x5, v3;
	v15 =	vadd.f32 v16, v15;
	v6 =	vld.idx.msk [tilespmem:v6+s15+$0x0], $0xffff  }
0x56: {  	v12 =	vor.u32 v2, v12;
	v16 =	vld.idx.msk [tilespmem:v7+s14+$0x0], $0xffff;
	v10 =	vadd.f32 v13, v10;
	v13 =	vshll.u32 v5, $0x10  }
0x57: {  	v14 =	vand.u32 $0x3F, v14;
	v4 =	vmul.bf16 v8, v4;
	v5 =	vand.u32 $0xFFFF0000, v5;
	v7 =	vld.idx.msk [tilespmem:v7+s15+$0x0], $0xffff  }
0x58: {  	v8 =	vor.u32 v2, v14;
	v13 =	vadd.f32 v13, v15;
	v5 =	vadd.f32 v5, v10  }
0x59: {  	v9 =	vmul.bf16 v11, v9;
	v11 =	vshll.u32 v4, $0x10;
	v4 =	vand.u32 $0xFFFF0000, v4;
	v10 =	vld.idx.msk [tilespmem:v17+s15+$0x0], $0xffff  }
0x5a: {  	v15 =	vadd.s32 $0x6, v3;
	v11 =	vadd.f32 v11, v13;
	v14 =	vld.idx.msk [tilespmem:v17+s14+$0x0], $0xffff;
	v17 =	vadd.s32 $0x7, v3  }
0x5b: {  	v13 =	vshll.u32 v9, $0x10;
	v9 =	vand.u32 $0xFFFF0000, v9;
	v4 =	vadd.f32 v4, v5;
	v18 =	vld.idx.msk [tilespmem:v12+s14+$0x0], $0xffff  }
0x5c: {  	v6 =	vmul.bf16 v6, v19;
	v5 =	vadd.f32 v13, v11;
	v11 =	vand.u32 $0x3F, v15;
	v12 =	vld.idx.msk [tilespmem:v12+s15+$0x0], $0xffff  }
0x5d: {  	v4 =	vadd.f32 v9, v4;
	v7 =	vmul.bf16 v7, v16;
	v9 =	vld.idx.msk [tilespmem:v8+s14+$0x0], $0xffff  }
0x5e: {  	v13 =	vshll.u32 v6, $0x10;
	v6 =	vand.u32 $0xFFFF0000, v6;
	v15 =	vor.u32 v2, v11;
	v8 =	vld.idx.msk [tilespmem:v8+s15+$0x0], $0xffff  }
0x5f: {  	v11 =	vand.u32 $0x3F, v17;
	v16 =	vshll.u32 v7, $0x10;
	v7 =	vand.u32 $0xFFFF0000, v7  }
0x60: {  	v13 =	vadd.f32 v13, v5;
	v5 =	vmul.bf16 v10, v14;
	v14 =	vor.u32 v2, v11  }
0x61: {  	v3 =	vadd.s32 $0x8, v3;
	v4 =	vadd.f32 v6, v4  }
0x62: {  	v3 =	vand.u32 $0x3F, v3;
	v17 =	vshll.u32 v5, $0x10;
	v19 =	vand.u32 $0xFFFF0000, v5  }
0x63: {  	v6 =	vadd.s32 $0x1, v3;
	v11 =	vor.u32 v2, v3;
	v10 =	vmul.bf16 v12, v18;
	v5 =	vld.idx.msk [tilespmem:v15+s14+$0x0], $0xffff  }
.Ltmp0:
0x64: {  	v6 =	vand.u32 $0x3F, v6;
	v13 =	vadd.f32 v16, v13;
	v16 =	vadd.f32 v7, v4;
	v12 =	vld.idx.msk [tilespmem:v15+s15+$0x0], $0xffff;
	(pc) =	sbr.rel @p0 .LBB2_4-.Ltmp0, $4  }
0x65: {  	v6 =	vor.u32 v2, v6;
	v7 =	vadd.s32 $0x2, v3;
	v18 =	vmul.bf16 v8, v9;
	v4 =	vld.idx.msk [tilespmem:v14+s14+$0x0], $0xffff  }
0x66: {  	v7 =	vand.u32 $0x3F, v7;
	v20 =	vshll.u32 v10, $0x10;
	v15 =	vadd.f32 v17, v13;
	v8 =	vld.idx.msk [tilespmem:v14+s15+$0x0], $0xffff  }
0x67: {  	v7 =	vor.u32 v2, v7;
	v13 =	vand.u32 $0xFFFF0000, v18;
	v14 =	vadd.f32 v19, v16  }
0x68: {  	v17 =	vadd.s32 $0x3, v3;
	v15 =	vadd.f32 v20, v15;
	v16 =	vshll.u32 v18, $0x10;
	v9 =	vld.idx.msk [tilespmem:v11+s14+$0x0], $0xffff  }
0x69: {  	_ = 	snop  }
0x6a: {  	v17 =	vand.u32 $0x3F, v17  }
0x6b: {  	v18 =	vadd.s32 $0x4, v3;
	v10 =	vand.u32 $0xFFFF0000, v10;
	v5 =	vmul.bf16 v12, v5  }
0x6c: {  	v34 =	vadd.s32 $0x5, v3;
	v42 =	vadd.s32 $0x6, v3;
	v3 =	vadd.s32 $0x7, v3  }
0x6d: {  	v11 =	vld.idx.msk [tilespmem:v11+s15+$0x0], $0xffff;
	v17 =	vor.u32 v2, v17;
	v10 =	vadd.f32 v10, v14;
	v33 =	vand.u32 $0x3F, v18  }
0x6e: {  	v35 =	vld.idx.msk [tilespmem:v6+s14+$0x0], $0xffff;
	v15 =	vadd.f32 v16, v15;
	v14 =	vand.u32 $0x3F, v34;
	v3 =	vand.u32 $0x3F, v3  }
0x6f: {  	v37 =	vld.idx.msk [tilespmem:v6+s15+$0x0], $0xffff;
	v12 =	vor.u32 v2, v33;
	v4 =	vmul.bf16 v8, v4;
	v10 =	vadd.f32 v13, v10  }
0x70: {  	v39 =	vld.idx.msk [tilespmem:v7+s14+$0x0], $0xffff;
	v36 =	vshll.u32 v5, $0x10;
	v5 =	vand.u32 $0xFFFF0000, v5;
	v38 =	vor.u32 v2, v14  }
0x71: {  	v40 =	vld.idx.msk [tilespmem:v7+s15+$0x0], $0xffff;
	v13 =	vadd.f32 v36, v15;
	v41 =	vshll.u32 v4, $0x10;
	v5 =	vadd.f32 v5, v10  }
0x72: {  	v4 =	vand.u32 $0xFFFF0000, v4;
	v9 =	vmul.bf16 v11, v9;
	v11 =	vand.u32 $0x3F, v42;
	v43 =	vld.idx.msk [tilespmem:v17+s15+$0x0], $0xffff  }
0x73: {  	v10 =	vadd.f32 v41, v13;
	v44 =	vld.idx.msk [tilespmem:v17+s14+$0x0], $0xffff;
	v46 =	vor.u32 v2, v11;
	v4 =	vadd.f32 v4, v5  }
0x74: {  	v6 =	vmul.bf16 v37, v35;
	v45 =	vshll.u32 v9, $0x10;
	v9 =	vand.u32 $0xFFFF0000, v9;
	v47 =	vld.idx.msk [tilespmem:v12+s14+$0x0], $0xffff  }
0x75: {  	v2 =	vor.u32 v2, v3;
	v12 =	vld.idx.msk [tilespmem:v12+s15+$0x0], $0xffff;
	v10 =	vadd.f32 v45, v10;
	v4 =	vadd.f32 v9, v4  }
0x76: {  	v3 =	vmul.bf16 v40, v39;
	v48 =	vld.idx.msk [tilespmem:v38+s14+$0x0], $0xffff;
	v49 =	vshll.u32 v6, $0x10;
	v6 =	vand.u32 $0xFFFF0000, v6  }
0x77: {  	v8 =	vld.idx.msk [tilespmem:v38+s15+$0x0], $0xffff;
	v9 =	vadd.f32 v49, v10;
	v4 =	vadd.f32 v6, v4  }
0x78: {  	v50 =	vshll.u32 v3, $0x10;
	v3 =	vand.u32 $0xFFFF0000, v3;
	v51 =	vmul.bf16 v43, v44;
	v52 =	vld.idx.msk [tilespmem:v46+s14+$0x0], $0xffff  }
0x79: {  	v53 =	vld.idx.msk [tilespmem:v46+s15+$0x0], $0xffff;
	v6 =	vadd.f32 v50, v9;
	v3 =	vadd.f32 v3, v4  }
0x7a: {  	v57 =	vld.idx.msk [tilespmem:v2+s14+$0x0], $0xffff;
	v56 =	vmul.bf16 v12, v47;
	v54 =	vshll.u32 v51, $0x10;
	v55 =	vand.u32 $0xFFFF0000, v51  }
0x7b: {  	v2 =	vld.idx.msk [tilespmem:v2+s15+$0x0], $0xffff;
	v5 =	vadd.f32 v54, v6;
	v3 =	vadd.f32 v55, v3  }
0x7c: {  	v58 =	vmul.bf16 v8, v48;
	v59 =	vshll.u32 v56, $0x10;
	v60 =	vand.u32 $0xFFFF0000, v56  }
0x7d: {  	v5 =	vadd.f32 v59, v5;
	v3 =	vadd.f32 v60, v3  }
0x7e: {  	v61 =	vand.u32 $0xFFFF0000, v58;
	v6 =	vshll.u32 v58, $0x10;
	v4 =	vmul.bf16 v53, v52  }
0x7f: {  	v5 =	vadd.f32 v6, v5;
	v3 =	vadd.f32 v61, v3  }
0x80: {  	v2 =	vmul.bf16 v2, v57;
	v62 =	vshll.u32 v4, $0x10;
	v4 =	vand.u32 $0xFFFF0000, v4  }
0x81: {  	s24 =	sadd.s32 $0x1, s24;
	v5 =	vadd.f32 v62, v5;
	v3 =	vadd.f32 v4, v3  }
0x82: {  	p0 =	sne.s32 s24, $0x8;
	v63 =	vshll.u32 v2, $0x10;
	v2 =	vand.u32 $0xFFFF0000, v2  }
.Ltmp1:
0x83: {  	v4 =	vadd.f32 v63, v5;
	v2 =	vadd.f32 v2, v3;
	(pc) =	sbr.rel @p0 .LBB2_3-.Ltmp1, $3  }
0x84: {  	_ = 	snop  }
0x85: {  	v2 =	vadd.f32 v2, v4;
	_ =	sdelay $0x1  }
0x86: {  	[tilespmem:v1+s26+$0x0 ss:$0x1] =	vst.idx.msk $0xffff, v2  }
0x87: {  	p0 =	seq.s32 s19, $0x19  }
0x88: {  	s24 =	smul.u32 @!p0 $0x180, s19;
	_ =	sdelay $0x1  }
0x89: {  	s10 =	simm.s32 @!p0 $0x80;
	s26 =	simm.s32 @!p0 $0x4E20;
	s1 =	sadd.s32 @!p0 $0x180, s24  }
0x8a: {  	[tilespmem:s26], [sflag:$0x1] =	stream.indirect.gather @!p0 [spmem:s2], $0x40, s1, s10, $0xb8;
	[tilespmem:$0x1D970] =	vst v63  }
0x8b: {  	s1 =	sadd.s32 @!p0 $0x2890, s24;
	s26 =	simm.s32 @!p0 $0xAE20  }
0x8c: {  	[tilespmem:s26], [sflag:$0x1] =	stream.indirect.gather @!p0 [spmem:s2], $0x40, s1, s10, $0xb8;
	[tilespmem:$0x1D970] =	vst v63  }
0x8d: {  	_ =	swait.ge [sflag:s30], $0x2000  }
0x8e: {  	[sflag:s30] =	ssyncset.done $0x0  }
0x8f: {  	[sflag:s30] =	ssyncadd.s32 $0xFFFFE000  }
0x90: {  	_ =	swait.ge [sflag:s30], $0x2000  }
0x91: {  	s10 =	sadd.s32 $0x116A0, s21;
	[sflag:s30] =	ssyncset.done $0x0  }
0x92: {  	s26 =	simm.s32 $0x0;
	v1 =	vmov s10;
	[sflag:s30] =	ssyncadd.s32 $0xFFFFE000  }
.LBB2_7:
0x93: {  	s1 =	sshll.u32 s26, $0x4;
	v3 =	vlaneseq.u32  }
0x94: {  	v2 =	vmov s1;
	v4 =	vmul.u32 $0x40, v3  }
0x95: {  	v2 =	vshll.u32 v2, $0x6  }
0x96: {  	v2 =	vor.u32 v4, v2  }
0x97: {  	v5 =	vadd.s32 $0x1, v3;
	v4 =	vor.u32 v2, v3  }
0x98: {  	v5 =	vand.u32 $0x3F, v5  }
0x99: {  	v6 =	vadd.s32 $0x2, v3;
	v5 =	vor.u32 v2, v5  }
0x9a: {  	v6 =	vand.u32 $0x3F, v6  }
0x9b: {  	v6 =	vor.u32 v2, v6  }
0x9c: {  	v8 =	vadd.s32 $0x3, v3;
	v7 =	vld.idx.msk [tilespmem:v4+s16+$0x0], $0xffff  }
0x9d: {  	v8 =	vand.u32 $0x3F, v8;
	v4 =	vld.idx.msk [tilespmem:v4+s18+$0x0], $0xffff  }
0x9e: {  	v10 =	vadd.s32 $0x4, v3;
	v8 =	vor.u32 v2, v8;
	v9 =	vld.idx.msk [tilespmem:v5+s16+$0x0], $0xffff  }
0x9f: {  	v10 =	vand.u32 $0x3F, v10;
	v5 =	vld.idx.msk [tilespmem:v5+s18+$0x0], $0xffff  }
0xa0: {  	v10 =	vor.u32 v2, v10;
	v11 =	vld.idx.msk [tilespmem:v6+s16+$0x0], $0xffff  }
0xa1: {  	v12 =	vadd.s32 $0x5, v3;
	v6 =	vld.idx.msk [tilespmem:v6+s18+$0x0], $0xffff  }
0xa2: {  	v12 =	vand.u32 $0x3F, v12  }
0xa3: {  	v12 =	vor.u32 v2, v12;
	v4 =	vmul.bf16 v4, v7;
	v7 =	vld.idx.msk [tilespmem:v8+s18+$0x0], $0xffff  }
0xa4: {  	v13 =	vimm.f32 $0.0e+00;
	v14 =	vadd.s32 $0x6, v3;
	v15 =	vadd.s32 $0x7, v3;
	v8 =	vld.idx.msk [tilespmem:v8+s16+$0x0], $0xffff  }
0xa5: {  	v14 =	vand.u32 $0x3F, v14;
	v3 =	vadd.s32 $0x8, v3;
	v5 =	vmul.bf16 v5, v9;
	v9 =	vld.idx.msk [tilespmem:v10+s16+$0x0], $0xffff  }
0xa6: {  	v14 =	vor.u32 v2, v14;
	v3 =	vand.u32 $0x3F, v3;
	v6 =	vmul.bf16 v6, v11;
	v10 =	vld.idx.msk [tilespmem:v10+s18+$0x0], $0xffff  }
0xa7: {  	v16 =	vshll.u32 v4, $0x10;
	v4 =	vand.u32 $0xFFFF0000, v4;
	v11 =	vshll.u32 v5, $0x10  }
0xa8: {  	v18 =	vld.idx.msk [tilespmem:v12+s18+$0x0], $0xffff;
	v5 =	vand.u32 $0xFFFF0000, v5;
	v17 =	vshll.u32 v6, $0x10;
	v16 =	vadd.f32 v16, v13  }
0xa9: {  	v6 =	vand.u32 $0xFFFF0000, v6;
	v4 =	vadd.f32 v4, v13;
	v13 =	vld.idx.msk [tilespmem:v12+s16+$0x0], $0xffff;
	v12 =	vand.u32 $0x3F, v15  }
0xaa: {  	v15 =	vadd.f32 v11, v16;
	v7 =	vmul.bf16 v7, v8;
	v8 =	vor.u32 v2, v12  }
0xab: {  	v4 =	vadd.f32 v5, v4;
	v11 =	vor.u32 v2, v3;
	v10 =	vmul.bf16 v10, v9  }
0xac: {  	v16 =	vshll.u32 v7, $0x10;
	v19 =	vand.u32 $0xFFFF0000, v7;
	v7 =	vadd.s32 $0x1, v3  }
0xad: {  	v5 =	vld.idx.msk [tilespmem:v14+s16+$0x0], $0xffff;
	v9 =	vadd.f32 v17, v15;
	v15 =	vadd.f32 v6, v4;
	v7 =	vand.u32 $0x3F, v7  }
0xae: {  	v12 =	vld.idx.msk [tilespmem:v14+s18+$0x0], $0xffff;
	v20 =	vshll.u32 v10, $0x10;
	v6 =	vor.u32 v2, v7;
	v7 =	vadd.s32 $0x2, v3  }
0xaf: {  	v18 =	vmul.bf16 v18, v13;
	v16 =	vadd.f32 v16, v9;
	v4 =	vld.idx.msk [tilespmem:v8+s16+$0x0], $0xffff;
	v7 =	vand.u32 $0x3F, v7  }
0xb0: {  	v17 =	vadd.s32 $0x3, v3;
	v14 =	vadd.f32 v19, v15;
	v8 =	vld.idx.msk [tilespmem:v8+s18+$0x0], $0xffff;
	v7 =	vor.u32 v2, v7  }
0xb1: {  	s10 =	simm.s32 $0x8;
	v13 =	vand.u32 $0xFFFF0000, v18;
	v9 =	vld.idx.msk [tilespmem:v11+s16+$0x0], $0xffff;
	v15 =	vadd.f32 v20, v16;
	v16 =	vshll.u32 v18, $0x10  }
.LBB2_8:
0xb2: {  	s10 =	sadd.s32 $0x8, s10;
	v11 =	vld.idx.msk [tilespmem:v11+s18+$0x0], $0xffff;
	v17 =	vand.u32 $0x3F, v17;
	v18 =	vadd.s32 $0x4, v3;
	v10 =	vand.u32 $0xFFFF0000, v10  }
0xb3: {  	v5 =	vmul.bf16 v12, v5;
	p1 =	slt.u32 s10, $0x38;
	v19 =	vld.idx.msk [tilespmem:v6+s16+$0x0], $0xffff;
	v17 =	vor.u32 v2, v17;
	v10 =	vadd.f32 v10, v14  }
0xb4: {  	v12 =	vand.u32 $0x3F, v18;
	v14 =	vadd.s32 $0x5, v3;
	v15 =	vadd.f32 v16, v15;
	v6 =	vld.idx.msk [tilespmem:v6+s18+$0x0], $0xffff  }
0xb5: {  	v12 =	vor.u32 v2, v12;
	v16 =	vld.idx.msk [tilespmem:v7+s16+$0x0], $0xffff;
	v10 =	vadd.f32 v13, v10;
	v13 =	vshll.u32 v5, $0x10  }
0xb6: {  	v14 =	vand.u32 $0x3F, v14;
	v4 =	vmul.bf16 v8, v4;
	v5 =	vand.u32 $0xFFFF0000, v5;
	v7 =	vld.idx.msk [tilespmem:v7+s18+$0x0], $0xffff  }
0xb7: {  	v8 =	vor.u32 v2, v14;
	v13 =	vadd.f32 v13, v15;
	v5 =	vadd.f32 v5, v10  }
0xb8: {  	v9 =	vmul.bf16 v11, v9;
	v11 =	vshll.u32 v4, $0x10;
	v4 =	vand.u32 $0xFFFF0000, v4;
	v10 =	vld.idx.msk [tilespmem:v17+s18+$0x0], $0xffff  }
0xb9: {  	v15 =	vadd.s32 $0x6, v3;
	v11 =	vadd.f32 v11, v13;
	v14 =	vld.idx.msk [tilespmem:v17+s16+$0x0], $0xffff;
	v17 =	vadd.s32 $0x7, v3  }
0xba: {  	v13 =	vshll.u32 v9, $0x10;
	v9 =	vand.u32 $0xFFFF0000, v9;
	v4 =	vadd.f32 v4, v5;
	v18 =	vld.idx.msk [tilespmem:v12+s16+$0x0], $0xffff  }
0xbb: {  	v6 =	vmul.bf16 v6, v19;
	v5 =	vadd.f32 v13, v11;
	v11 =	vand.u32 $0x3F, v15;
	v12 =	vld.idx.msk [tilespmem:v12+s18+$0x0], $0xffff  }
0xbc: {  	v4 =	vadd.f32 v9, v4;
	v7 =	vmul.bf16 v7, v16;
	v9 =	vld.idx.msk [tilespmem:v8+s16+$0x0], $0xffff  }
0xbd: {  	v13 =	vshll.u32 v6, $0x10;
	v6 =	vand.u32 $0xFFFF0000, v6;
	v15 =	vor.u32 v2, v11;
	v8 =	vld.idx.msk [tilespmem:v8+s18+$0x0], $0xffff  }
0xbe: {  	v11 =	vand.u32 $0x3F, v17;
	v16 =	vshll.u32 v7, $0x10;
	v7 =	vand.u32 $0xFFFF0000, v7  }
0xbf: {  	v13 =	vadd.f32 v13, v5;
	v5 =	vmul.bf16 v10, v14;
	v14 =	vor.u32 v2, v11  }
0xc0: {  	v3 =	vadd.s32 $0x8, v3;
	v4 =	vadd.f32 v6, v4  }
0xc1: {  	v3 =	vand.u32 $0x3F, v3;
	v17 =	vshll.u32 v5, $0x10;
	v19 =	vand.u32 $0xFFFF0000, v5  }
0xc2: {  	v6 =	vadd.s32 $0x1, v3;
	v11 =	vor.u32 v2, v3;
	v10 =	vmul.bf16 v12, v18;
	v5 =	vld.idx.msk [tilespmem:v15+s16+$0x0], $0xffff  }
.Ltmp2:
0xc3: {  	v6 =	vand.u32 $0x3F, v6;
	v13 =	vadd.f32 v16, v13;
	v16 =	vadd.f32 v7, v4;
	v12 =	vld.idx.msk [tilespmem:v15+s18+$0x0], $0xffff;
	(pc) =	sbr.rel @p1 .LBB2_8-.Ltmp2, $4  }
0xc4: {  	v6 =	vor.u32 v2, v6;
	v7 =	vadd.s32 $0x2, v3;
	v18 =	vmul.bf16 v8, v9;
	v4 =	vld.idx.msk [tilespmem:v14+s16+$0x0], $0xffff  }
0xc5: {  	v7 =	vand.u32 $0x3F, v7;
	v20 =	vshll.u32 v10, $0x10;
	v15 =	vadd.f32 v17, v13;
	v8 =	vld.idx.msk [tilespmem:v14+s18+$0x0], $0xffff  }
0xc6: {  	v7 =	vor.u32 v2, v7;
	v13 =	vand.u32 $0xFFFF0000, v18;
	v14 =	vadd.f32 v19, v16  }
0xc7: {  	v17 =	vadd.s32 $0x3, v3;
	v15 =	vadd.f32 v20, v15;
	v16 =	vshll.u32 v18, $0x10;
	v9 =	vld.idx.msk [tilespmem:v11+s16+$0x0], $0xffff  }
0xc8: {  	_ = 	snop  }
0xc9: {  	v17 =	vand.u32 $0x3F, v17  }
0xca: {  	v18 =	vadd.s32 $0x4, v3;
	v10 =	vand.u32 $0xFFFF0000, v10;
	v5 =	vmul.bf16 v12, v5  }
0xcb: {  	v34 =	vadd.s32 $0x5, v3;
	v42 =	vadd.s32 $0x6, v3;
	v3 =	vadd.s32 $0x7, v3  }
0xcc: {  	v11 =	vld.idx.msk [tilespmem:v11+s18+$0x0], $0xffff;
	v17 =	vor.u32 v2, v17;
	v10 =	vadd.f32 v10, v14;
	v33 =	vand.u32 $0x3F, v18  }
0xcd: {  	v35 =	vld.idx.msk [tilespmem:v6+s16+$0x0], $0xffff;
	v15 =	vadd.f32 v16, v15;
	v14 =	vand.u32 $0x3F, v34;
	v3 =	vand.u32 $0x3F, v3  }
0xce: {  	v37 =	vld.idx.msk [tilespmem:v6+s18+$0x0], $0xffff;
	v12 =	vor.u32 v2, v33;
	v4 =	vmul.bf16 v8, v4;
	v10 =	vadd.f32 v13, v10  }
0xcf: {  	v39 =	vld.idx.msk [tilespmem:v7+s16+$0x0], $0xffff;
	v36 =	vshll.u32 v5, $0x10;
	v5 =	vand.u32 $0xFFFF0000, v5;
	v38 =	vor.u32 v2, v14  }
0xd0: {  	v40 =	vld.idx.msk [tilespmem:v7+s18+$0x0], $0xffff;
	v13 =	vadd.f32 v36, v15;
	v41 =	vshll.u32 v4, $0x10;
	v5 =	vadd.f32 v5, v10  }
0xd1: {  	v4 =	vand.u32 $0xFFFF0000, v4;
	v9 =	vmul.bf16 v11, v9;
	v11 =	vand.u32 $0x3F, v42;
	v43 =	vld.idx.msk [tilespmem:v17+s18+$0x0], $0xffff  }
0xd2: {  	v10 =	vadd.f32 v41, v13;
	v44 =	vld.idx.msk [tilespmem:v17+s16+$0x0], $0xffff;
	v46 =	vor.u32 v2, v11;
	v4 =	vadd.f32 v4, v5  }
0xd3: {  	v6 =	vmul.bf16 v37, v35;
	v45 =	vshll.u32 v9, $0x10;
	v9 =	vand.u32 $0xFFFF0000, v9;
	v47 =	vld.idx.msk [tilespmem:v12+s16+$0x0], $0xffff  }
0xd4: {  	v2 =	vor.u32 v2, v3;
	v12 =	vld.idx.msk [tilespmem:v12+s18+$0x0], $0xffff;
	v10 =	vadd.f32 v45, v10;
	v4 =	vadd.f32 v9, v4  }
0xd5: {  	v3 =	vmul.bf16 v40, v39;
	v48 =	vld.idx.msk [tilespmem:v38+s16+$0x0], $0xffff;
	v49 =	vshll.u32 v6, $0x10;
	v6 =	vand.u32 $0xFFFF0000, v6  }
0xd6: {  	v8 =	vld.idx.msk [tilespmem:v38+s18+$0x0], $0xffff;
	v9 =	vadd.f32 v49, v10;
	v4 =	vadd.f32 v6, v4  }
0xd7: {  	v50 =	vshll.u32 v3, $0x10;
	v3 =	vand.u32 $0xFFFF0000, v3;
	v51 =	vmul.bf16 v43, v44;
	v52 =	vld.idx.msk [tilespmem:v46+s16+$0x0], $0xffff  }
0xd8: {  	v53 =	vld.idx.msk [tilespmem:v46+s18+$0x0], $0xffff;
	v6 =	vadd.f32 v50, v9;
	v3 =	vadd.f32 v3, v4  }
0xd9: {  	v57 =	vld.idx.msk [tilespmem:v2+s16+$0x0], $0xffff;
	v56 =	vmul.bf16 v12, v47;
	v54 =	vshll.u32 v51, $0x10;
	v55 =	vand.u32 $0xFFFF0000, v51  }
0xda: {  	v2 =	vld.idx.msk [tilespmem:v2+s18+$0x0], $0xffff;
	v5 =	vadd.f32 v54, v6;
	v3 =	vadd.f32 v55, v3  }
0xdb: {  	v58 =	vmul.bf16 v8, v48;
	v59 =	vshll.u32 v56, $0x10;
	v60 =	vand.u32 $0xFFFF0000, v56  }
0xdc: {  	v5 =	vadd.f32 v59, v5;
	v3 =	vadd.f32 v60, v3  }
0xdd: {  	v61 =	vand.u32 $0xFFFF0000, v58;
	v6 =	vshll.u32 v58, $0x10;
	v4 =	vmul.bf16 v53, v52  }
0xde: {  	v5 =	vadd.f32 v6, v5;
	v3 =	vadd.f32 v61, v3  }
0xdf: {  	v2 =	vmul.bf16 v2, v57;
	v62 =	vshll.u32 v4, $0x10;
	v4 =	vand.u32 $0xFFFF0000, v4  }
0xe0: {  	s26 =	sadd.s32 $0x1, s26;
	v5 =	vadd.f32 v62, v5;
	v3 =	vadd.f32 v4, v3  }
0xe1: {  	p1 =	sne.s32 s26, $0x8;
	v63 =	vshll.u32 v2, $0x10;
	v2 =	vand.u32 $0xFFFF0000, v2  }
.Ltmp3:
0xe2: {  	v4 =	vadd.f32 v63, v5;
	v2 =	vadd.f32 v2, v3;
	(pc) =	sbr.rel @p1 .LBB2_7-.Ltmp3, $3  }
0xe3: {  	_ = 	snop  }
0xe4: {  	v2 =	vadd.f32 v2, v4;
	_ =	sdelay $0x1  }
0xe5: {  	[tilespmem:v1+s1+$0x0 ss:$0x1] =	vst.idx.msk $0xffff, v2  }
0xe6: {  	s1 =	sadd.s32 @!p0 $0x200, s24;
	s10 =	simm.s32 @!p0 $0x80;
	s26 =	simm.s32 @!p0 $0x6E20  }
0xe7: {  	[tilespmem:s26], [sflag:$0x2] =	stream.indirect.gather @!p0 [spmem:s2], $0x40, s1, s10, $0xb8;
	[tilespmem:$0x1D970] =	vst v63  }
0xe8: {  	s1 =	sadd.s32 @!p0 $0x2910, s24;
	s24 =	simm.s32 @!p0 $0xCE20  }
0xe9: {  	[tilespmem:s24], [sflag:$0x2] =	stream.indirect.gather @!p0 [spmem:s2], $0x40, s1, s10, $0xb8;
	[tilespmem:$0x1D970] =	vst v63  }
0xea: {  	_ =	swait.ge [sflag:s31], $0x2000  }
0xeb: {  	[sflag:s31] =	ssyncset.done $0x0  }
0xec: {  	[sflag:s31] =	ssyncadd.s32 $0xFFFFE000  }
0xed: {  	_ =	swait.ge [sflag:s31], $0x2000  }
0xee: {  	s26 =	sadd.s32 $0x11720, s21;
	[sflag:s31] =	ssyncset.done $0x0  }
0xef: {  	s21 =	simm.s32 $0x0;
	v1 =	vmov s26;
	[sflag:s31] =	ssyncadd.s32 $0xFFFFE000  }
.LBB2_11:
0xf0: {  	s1 =	sshll.u32 s21, $0x4;
	v3 =	vlaneseq.u32  }
0xf1: {  	v2 =	vmov s1;
	v4 =	vmul.u32 $0x40, v3  }
0xf2: {  	v2 =	vshll.u32 v2, $0x6  }
0xf3: {  	v2 =	vor.u32 v4, v2  }
0xf4: {  	v5 =	vadd.s32 $0x1, v3;
	v4 =	vor.u32 v2, v3  }
0xf5: {  	v5 =	vand.u32 $0x3F, v5  }
0xf6: {  	v6 =	vadd.s32 $0x2, v3;
	v5 =	vor.u32 v2, v5  }
0xf7: {  	v6 =	vand.u32 $0x3F, v6  }
0xf8: {  	v6 =	vor.u32 v2, v6  }
0xf9: {  	v8 =	vadd.s32 $0x3, v3;
	v7 =	vld.idx.msk [tilespmem:v4+s20+$0x0], $0xffff  }
0xfa: {  	v8 =	vand.u32 $0x3F, v8;
	v4 =	vld.idx.msk [tilespmem:v4+s22+$0x0], $0xffff  }
0xfb: {  	v10 =	vadd.s32 $0x4, v3;
	v8 =	vor.u32 v2, v8;
	v9 =	vld.idx.msk [tilespmem:v5+s20+$0x0], $0xffff  }
0xfc: {  	v10 =	vand.u32 $0x3F, v10;
	v5 =	vld.idx.msk [tilespmem:v5+s22+$0x0], $0xffff  }
0xfd: {  	v10 =	vor.u32 v2, v10;
	v11 =	vld.idx.msk [tilespmem:v6+s20+$0x0], $0xffff  }
0xfe: {  	v12 =	vadd.s32 $0x5, v3;
	v6 =	vld.idx.msk [tilespmem:v6+s22+$0x0], $0xffff  }
0xff: {  	v12 =	vand.u32 $0x3F, v12  }
0x100: {  	v12 =	vor.u32 v2, v12;
	v4 =	vmul.bf16 v4, v7;
	v7 =	vld.idx.msk [tilespmem:v8+s22+$0x0], $0xffff  }
0x101: {  	v13 =	vimm.f32 $0.0e+00;
	v14 =	vadd.s32 $0x6, v3;
	v15 =	vadd.s32 $0x7, v3;
	v8 =	vld.idx.msk [tilespmem:v8+s20+$0x0], $0xffff  }
0x102: {  	v14 =	vand.u32 $0x3F, v14;
	v3 =	vadd.s32 $0x8, v3;
	v5 =	vmul.bf16 v5, v9;
	v9 =	vld.idx.msk [tilespmem:v10+s20+$0x0], $0xffff  }
0x103: {  	v14 =	vor.u32 v2, v14;
	v3 =	vand.u32 $0x3F, v3;
	v6 =	vmul.bf16 v6, v11;
	v10 =	vld.idx.msk [tilespmem:v10+s22+$0x0], $0xffff  }
0x104: {  	v16 =	vshll.u32 v4, $0x10;
	v4 =	vand.u32 $0xFFFF0000, v4;
	v11 =	vshll.u32 v5, $0x10  }
0x105: {  	v18 =	vld.idx.msk [tilespmem:v12+s22+$0x0], $0xffff;
	v5 =	vand.u32 $0xFFFF0000, v5;
	v17 =	vshll.u32 v6, $0x10;
	v16 =	vadd.f32 v16, v13  }
0x106: {  	v6 =	vand.u32 $0xFFFF0000, v6;
	v4 =	vadd.f32 v4, v13;
	v13 =	vld.idx.msk [tilespmem:v12+s20+$0x0], $0xffff;
	v12 =	vand.u32 $0x3F, v15  }
0x107: {  	v15 =	vadd.f32 v11, v16;
	v7 =	vmul.bf16 v7, v8;
	v8 =	vor.u32 v2, v12  }
0x108: {  	v4 =	vadd.f32 v5, v4;
	v11 =	vor.u32 v2, v3;
	v10 =	vmul.bf16 v10, v9  }
0x109: {  	v16 =	vshll.u32 v7, $0x10;
	v19 =	vand.u32 $0xFFFF0000, v7;
	v7 =	vadd.s32 $0x1, v3  }
0x10a: {  	v5 =	vld.idx.msk [tilespmem:v14+s20+$0x0], $0xffff;
	v9 =	vadd.f32 v17, v15;
	v15 =	vadd.f32 v6, v4;
	v7 =	vand.u32 $0x3F, v7  }
0x10b: {  	v12 =	vld.idx.msk [tilespmem:v14+s22+$0x0], $0xffff;
	v20 =	vshll.u32 v10, $0x10;
	v6 =	vor.u32 v2, v7;
	v7 =	vadd.s32 $0x2, v3  }
0x10c: {  	v18 =	vmul.bf16 v18, v13;
	v16 =	vadd.f32 v16, v9;
	v4 =	vld.idx.msk [tilespmem:v8+s20+$0x0], $0xffff;
	v7 =	vand.u32 $0x3F, v7  }
0x10d: {  	v17 =	vadd.s32 $0x3, v3;
	v14 =	vadd.f32 v19, v15;
	v8 =	vld.idx.msk [tilespmem:v8+s22+$0x0], $0xffff;
	v7 =	vor.u32 v2, v7  }
0x10e: {  	s10 =	simm.s32 $0x8;
	v13 =	vand.u32 $0xFFFF0000, v18;
	v9 =	vld.idx.msk [tilespmem:v11+s20+$0x0], $0xffff;
	v15 =	vadd.f32 v20, v16;
	v16 =	vshll.u32 v18, $0x10  }
.LBB2_12:
0x10f: {  	s10 =	sadd.s32 $0x8, s10;
	v11 =	vld.idx.msk [tilespmem:v11+s22+$0x0], $0xffff;
	v17 =	vand.u32 $0x3F, v17;
	v18 =	vadd.s32 $0x4, v3;
	v10 =	vand.u32 $0xFFFF0000, v10  }
0x110: {  	v5 =	vmul.bf16 v12, v5;
	p1 =	slt.u32 s10, $0x38;
	v19 =	vld.idx.msk [tilespmem:v6+s20+$0x0], $0xffff;
	v17 =	vor.u32 v2, v17;
	v10 =	vadd.f32 v10, v14  }
0x111: {  	v12 =	vand.u32 $0x3F, v18;
	v14 =	vadd.s32 $0x5, v3;
	v15 =	vadd.f32 v16, v15;
	v6 =	vld.idx.msk [tilespmem:v6+s22+$0x0], $0xffff  }
0x112: {  	v12 =	vor.u32 v2, v12;
	v16 =	vld.idx.msk [tilespmem:v7+s20+$0x0], $0xffff;
	v10 =	vadd.f32 v13, v10;
	v13 =	vshll.u32 v5, $0x10  }
0x113: {  	v14 =	vand.u32 $0x3F, v14;
	v4 =	vmul.bf16 v8, v4;
	v5 =	vand.u32 $0xFFFF0000, v5;
	v7 =	vld.idx.msk [tilespmem:v7+s22+$0x0], $0xffff  }
0x114: {  	v8 =	vor.u32 v2, v14;
	v13 =	vadd.f32 v13, v15;
	v5 =	vadd.f32 v5, v10  }
0x115: {  	v9 =	vmul.bf16 v11, v9;
	v11 =	vshll.u32 v4, $0x10;
	v4 =	vand.u32 $0xFFFF0000, v4;
	v10 =	vld.idx.msk [tilespmem:v17+s22+$0x0], $0xffff  }
0x116: {  	v15 =	vadd.s32 $0x6, v3;
	v11 =	vadd.f32 v11, v13;
	v14 =	vld.idx.msk [tilespmem:v17+s20+$0x0], $0xffff;
	v17 =	vadd.s32 $0x7, v3  }
0x117: {  	v13 =	vshll.u32 v9, $0x10;
	v9 =	vand.u32 $0xFFFF0000, v9;
	v4 =	vadd.f32 v4, v5;
	v18 =	vld.idx.msk [tilespmem:v12+s20+$0x0], $0xffff  }
0x118: {  	v6 =	vmul.bf16 v6, v19;
	v5 =	vadd.f32 v13, v11;
	v11 =	vand.u32 $0x3F, v15;
	v12 =	vld.idx.msk [tilespmem:v12+s22+$0x0], $0xffff  }
0x119: {  	v4 =	vadd.f32 v9, v4;
	v7 =	vmul.bf16 v7, v16;
	v9 =	vld.idx.msk [tilespmem:v8+s20+$0x0], $0xffff  }
0x11a: {  	v13 =	vshll.u32 v6, $0x10;
	v6 =	vand.u32 $0xFFFF0000, v6;
	v15 =	vor.u32 v2, v11;
	v8 =	vld.idx.msk [tilespmem:v8+s22+$0x0], $0xffff  }
0x11b: {  	v11 =	vand.u32 $0x3F, v17;
	v16 =	vshll.u32 v7, $0x10;
	v7 =	vand.u32 $0xFFFF0000, v7  }
0x11c: {  	v13 =	vadd.f32 v13, v5;
	v5 =	vmul.bf16 v10, v14;
	v14 =	vor.u32 v2, v11  }
0x11d: {  	v3 =	vadd.s32 $0x8, v3;
	v4 =	vadd.f32 v6, v4  }
0x11e: {  	v3 =	vand.u32 $0x3F, v3;
	v17 =	vshll.u32 v5, $0x10;
	v19 =	vand.u32 $0xFFFF0000, v5  }
0x11f: {  	v6 =	vadd.s32 $0x1, v3;
	v11 =	vor.u32 v2, v3;
	v10 =	vmul.bf16 v12, v18;
	v5 =	vld.idx.msk [tilespmem:v15+s20+$0x0], $0xffff  }
.Ltmp4:
0x120: {  	v6 =	vand.u32 $0x3F, v6;
	v13 =	vadd.f32 v16, v13;
	v16 =	vadd.f32 v7, v4;
	v12 =	vld.idx.msk [tilespmem:v15+s22+$0x0], $0xffff;
	(pc) =	sbr.rel @p1 .LBB2_12-.Ltmp4, $4  }
0x121: {  	v6 =	vor.u32 v2, v6;
	v7 =	vadd.s32 $0x2, v3;
	v18 =	vmul.bf16 v8, v9;
	v4 =	vld.idx.msk [tilespmem:v14+s20+$0x0], $0xffff  }
0x122: {  	v7 =	vand.u32 $0x3F, v7;
	v20 =	vshll.u32 v10, $0x10;
	v15 =	vadd.f32 v17, v13;
	v8 =	vld.idx.msk [tilespmem:v14+s22+$0x0], $0xffff  }
0x123: {  	v7 =	vor.u32 v2, v7;
	v13 =	vand.u32 $0xFFFF0000, v18;
	v14 =	vadd.f32 v19, v16  }
0x124: {  	v17 =	vadd.s32 $0x3, v3;
	v15 =	vadd.f32 v20, v15;
	v16 =	vshll.u32 v18, $0x10;
	v9 =	vld.idx.msk [tilespmem:v11+s20+$0x0], $0xffff  }
0x125: {  	_ = 	snop  }
0x126: {  	v17 =	vand.u32 $0x3F, v17  }
0x127: {  	v18 =	vadd.s32 $0x4, v3;
	v10 =	vand.u32 $0xFFFF0000, v10;
	v5 =	vmul.bf16 v12, v5  }
0x128: {  	v34 =	vadd.s32 $0x5, v3;
	v42 =	vadd.s32 $0x6, v3;
	v3 =	vadd.s32 $0x7, v3  }
0x129: {  	v11 =	vld.idx.msk [tilespmem:v11+s22+$0x0], $0xffff;
	v17 =	vor.u32 v2, v17;
	v10 =	vadd.f32 v10, v14;
	v33 =	vand.u32 $0x3F, v18  }
0x12a: {  	v35 =	vld.idx.msk [tilespmem:v6+s20+$0x0], $0xffff;
	v15 =	vadd.f32 v16, v15;
	v14 =	vand.u32 $0x3F, v34;
	v3 =	vand.u32 $0x3F, v3  }
0x12b: {  	v37 =	vld.idx.msk [tilespmem:v6+s22+$0x0], $0xffff;
	v12 =	vor.u32 v2, v33;
	v4 =	vmul.bf16 v8, v4;
	v10 =	vadd.f32 v13, v10  }
0x12c: {  	v39 =	vld.idx.msk [tilespmem:v7+s20+$0x0], $0xffff;
	v36 =	vshll.u32 v5, $0x10;
	v5 =	vand.u32 $0xFFFF0000, v5;
	v38 =	vor.u32 v2, v14  }
0x12d: {  	v40 =	vld.idx.msk [tilespmem:v7+s22+$0x0], $0xffff;
	v13 =	vadd.f32 v36, v15;
	v41 =	vshll.u32 v4, $0x10;
	v5 =	vadd.f32 v5, v10  }
0x12e: {  	v4 =	vand.u32 $0xFFFF0000, v4;
	v9 =	vmul.bf16 v11, v9;
	v11 =	vand.u32 $0x3F, v42;
	v43 =	vld.idx.msk [tilespmem:v17+s22+$0x0], $0xffff  }
0x12f: {  	v10 =	vadd.f32 v41, v13;
	v44 =	vld.idx.msk [tilespmem:v17+s20+$0x0], $0xffff;
	v46 =	vor.u32 v2, v11;
	v4 =	vadd.f32 v4, v5  }
0x130: {  	v6 =	vmul.bf16 v37, v35;
	v45 =	vshll.u32 v9, $0x10;
	v9 =	vand.u32 $0xFFFF0000, v9;
	v47 =	vld.idx.msk [tilespmem:v12+s20+$0x0], $0xffff  }
0x131: {  	v2 =	vor.u32 v2, v3;
	v12 =	vld.idx.msk [tilespmem:v12+s22+$0x0], $0xffff;
	v10 =	vadd.f32 v45, v10;
	v4 =	vadd.f32 v9, v4  }
0x132: {  	v3 =	vmul.bf16 v40, v39;
	v48 =	vld.idx.msk [tilespmem:v38+s20+$0x0], $0xffff;
	v49 =	vshll.u32 v6, $0x10;
	v6 =	vand.u32 $0xFFFF0000, v6  }
0x133: {  	v8 =	vld.idx.msk [tilespmem:v38+s22+$0x0], $0xffff;
	v9 =	vadd.f32 v49, v10;
	v4 =	vadd.f32 v6, v4  }
0x134: {  	v50 =	vshll.u32 v3, $0x10;
	v3 =	vand.u32 $0xFFFF0000, v3;
	v51 =	vmul.bf16 v43, v44;
	v52 =	vld.idx.msk [tilespmem:v46+s20+$0x0], $0xffff  }
0x135: {  	v53 =	vld.idx.msk [tilespmem:v46+s22+$0x0], $0xffff;
	v6 =	vadd.f32 v50, v9;
	v3 =	vadd.f32 v3, v4  }
0x136: {  	v57 =	vld.idx.msk [tilespmem:v2+s20+$0x0], $0xffff;
	v56 =	vmul.bf16 v12, v47;
	v54 =	vshll.u32 v51, $0x10;
	v55 =	vand.u32 $0xFFFF0000, v51  }
0x137: {  	v2 =	vld.idx.msk [tilespmem:v2+s22+$0x0], $0xffff;
	v5 =	vadd.f32 v54, v6;
	v3 =	vadd.f32 v55, v3  }
0x138: {  	v58 =	vmul.bf16 v8, v48;
	v59 =	vshll.u32 v56, $0x10;
	v60 =	vand.u32 $0xFFFF0000, v56  }
0x139: {  	v5 =	vadd.f32 v59, v5;
	v3 =	vadd.f32 v60, v3  }
0x13a: {  	v61 =	vand.u32 $0xFFFF0000, v58;
	v6 =	vshll.u32 v58, $0x10;
	v4 =	vmul.bf16 v53, v52  }
0x13b: {  	v5 =	vadd.f32 v6, v5;
	v3 =	vadd.f32 v61, v3  }
0x13c: {  	v2 =	vmul.bf16 v2, v57;
	v62 =	vshll.u32 v4, $0x10;
	v4 =	vand.u32 $0xFFFF0000, v4  }
0x13d: {  	s21 =	sadd.s32 $0x1, s21;
	v5 =	vadd.f32 v62, v5;
	v3 =	vadd.f32 v4, v3  }
0x13e: {  	p1 =	sne.s32 s21, $0x8;
	v63 =	vshll.u32 v2, $0x10;
	v2 =	vand.u32 $0xFFFF0000, v2  }
.Ltmp5:
0x13f: {  	v4 =	vadd.f32 v63, v5;
	v2 =	vadd.f32 v2, v3;
	(pc) =	sbr.rel @p1 .LBB2_11-.Ltmp5, $3  }
0x140: {  	_ = 	snop  }
0x141: {  	v2 =	vadd.f32 v2, v4;
	_ =	sdelay $0x1  }
0x142: {  	[tilespmem:v1+s1+$0x0 ss:$0x1] =	vst.idx.msk $0xffff, v2  }
.Ltmp6:
0x143: {  	(pc) =	sbr.rel @p0 .LBB2_16-.Ltmp6, $1  }
0x144: {  	_ =	sdelay $0x3  }
0x145: {  	s1 =	smul.u32 $0x180, s19  }
.Ltmp7:
0x146: {  	_ = 	snop;
	(pc) =	sbr.rel .LBB2_2-.Ltmp7, $4  }
0x147: {  	s10 =	sadd.s32 $0x280, s1  }
0x148: {  	[tilespmem:s20], [sflag:$0x3] =	stream.indirect.gather [spmem:s2], $0x40, s10, s13, $0xb8;
	[tilespmem:$0x1D970] =	vst v63  }
0x149: {  	s19 =	sadd.s32 $0x1, s19;
	s1 =	sadd.s32 $0x2990, s1  }
0x14a: {  	[tilespmem:s22], [sflag:$0x3] =	stream.indirect.gather [spmem:s2], $0x40, s1, s13, $0xb8;
	[tilespmem:$0x1D970] =	vst v63  }
.LBB2_16:
0x14b: {  	_ =	swait.ge [sflag:s0], $0x400;
	v1 =	vlaneseq.u32  }
0x14c: {  	[sflag:s0] =	ssyncset.done $0x0;
	v2 =	vor.u32 v0, v1;
	v3 =	vadd.s32 $0x1, v1  }
0x14d: {  	[sflag:s0] =	ssyncadd.s32 $0xFFFFFC00;
	v3 =	vand.u32 $0x3F, v3  }
0x14e: {  	v4 =	vadd.s32 $0x2, v1;
	_ =	swait.ge [sflag:s0], $0x400;
	v3 =	vor.u32 v0, v3  }
0x14f: {  	v4 =	vand.u32 $0x3F, v4;
	[sflag:s0] =	ssyncset.done $0x0  }
0x150: {  	v6 =	vadd.s32 $0x3, v1;
	v4 =	vor.u32 v0, v4;
	[sflag:s0] =	ssyncadd.s32 $0xFFFFFC00  }
0x151: {  	v6 =	vand.u32 $0x3F, v6;
	v5 =	vld.idx.msk [tilespmem:v2+s25+$0x0], $0xffff  }
0x152: {  	v10 =	vadd.s32 $0x5, v1;
	v6 =	vor.u32 v0, v6;
	v2 =	vld.idx.msk [tilespmem:v2+s28+$0x0], $0xffff  }
0x153: {  	v8 =	vadd.s32 $0x4, v1;
	v10 =	vand.u32 $0x3F, v10;
	v7 =	vld.idx.msk [tilespmem:v3+s25+$0x0], $0xffff  }
0x154: {  	v8 =	vand.u32 $0x3F, v8;
	v10 =	vor.u32 v0, v10;
	v3 =	vld.idx.msk [tilespmem:v3+s28+$0x0], $0xffff  }
0x155: {  	v8 =	vor.u32 v0, v8;
	v9 =	vld.idx.msk [tilespmem:v4+s25+$0x0], $0xffff  }
0x156: {  	v4 =	vld.idx.msk [tilespmem:v4+s28+$0x0], $0xffff  }
0x157: {  	v2 =	vmul.bf16 v2, v5;
	v5 =	vld.idx.msk [tilespmem:v6+s28+$0x0], $0xffff  }
0x158: {  	v12 =	vadd.s32 $0x6, v1;
	v13 =	vadd.s32 $0x7, v1;
	v1 =	vadd.s32 $0x8, v1;
	v6 =	vld.idx.msk [tilespmem:v6+s25+$0x0], $0xffff  }
0x159: {  	v11 =	vimm.f32 $0.0e+00;
	v12 =	vand.u32 $0x3F, v12;
	v1 =	vand.u32 $0x3F, v1;
	v16 =	vld.idx.msk [tilespmem:v10+s28+$0x0], $0xffff  }
0x15a: {  	v12 =	vor.u32 v0, v12;
	v14 =	vshll.u32 v2, $0x10;
	v3 =	vmul.bf16 v3, v7;
	v7 =	vld.idx.msk [tilespmem:v8+s25+$0x0], $0xffff  }
0x15b: {  	v2 =	vand.u32 $0xFFFF0000, v2;
	v4 =	vmul.bf16 v4, v9;
	v8 =	vld.idx.msk [tilespmem:v8+s28+$0x0], $0xffff;
	v14 =	vadd.f32 v14, v11  }
0x15c: {  	v2 =	vadd.f32 v2, v11;
	v11 =	vld.idx.msk [tilespmem:v10+s25+$0x0], $0xffff;
	v10 =	vand.u32 $0x3F, v13;
	v9 =	vshll.u32 v3, $0x10  }
0x15d: {  	v3 =	vand.u32 $0xFFFF0000, v3;
	v15 =	vshll.u32 v4, $0x10;
	v5 =	vmul.bf16 v5, v6  }
0x15e: {  	v4 =	vand.u32 $0xFFFF0000, v4;
	v13 =	vadd.f32 v9, v14;
	v6 =	vor.u32 v0, v10  }
0x15f: {  	v2 =	vadd.f32 v3, v2;
	v9 =	vor.u32 v0, v1;
	v14 =	vshll.u32 v5, $0x10  }
0x160: {  	v17 =	vand.u32 $0xFFFF0000, v5;
	v5 =	vadd.s32 $0x1, v1;
	v8 =	vmul.bf16 v8, v7  }
0x161: {  	v3 =	vld.idx.msk [tilespmem:v12+s25+$0x0], $0xffff;
	v7 =	vadd.f32 v15, v13;
	v13 =	vadd.f32 v4, v2;
	v5 =	vand.u32 $0x3F, v5  }
0x162: {  	v10 =	vld.idx.msk [tilespmem:v12+s28+$0x0], $0xffff;
	v15 =	vadd.s32 $0x3, v1;
	v4 =	vor.u32 v0, v5;
	v5 =	vadd.s32 $0x2, v1  }
0x163: {  	v16 =	vmul.bf16 v16, v11;
	v14 =	vadd.f32 v14, v7;
	v2 =	vld.idx.msk [tilespmem:v6+s25+$0x0], $0xffff;
	v5 =	vand.u32 $0x3F, v5  }
0x164: {  	v18 =	vshll.u32 v8, $0x10;
	v12 =	vadd.f32 v17, v13;
	v6 =	vld.idx.msk [tilespmem:v6+s28+$0x0], $0xffff;
	v5 =	vor.u32 v0, v5  }
0x165: {  	s1 =	simm.s32 $0x8;
	v11 =	vand.u32 $0xFFFF0000, v16;
	v7 =	vld.idx.msk [tilespmem:v9+s25+$0x0], $0xffff;
	v13 =	vadd.f32 v18, v14;
	v14 =	vshll.u32 v16, $0x10  }
.LBB2_17:
0x166: {  	s1 =	sadd.s32 $0x8, s1;
	v9 =	vld.idx.msk [tilespmem:v9+s28+$0x0], $0xffff;
	v15 =	vand.u32 $0x3F, v15;
	v16 =	vadd.s32 $0x4, v1;
	v8 =	vand.u32 $0xFFFF0000, v8  }
0x167: {  	v3 =	vmul.bf16 v10, v3;
	p0 =	slt.u32 s1, $0x38;
	v17 =	vld.idx.msk [tilespmem:v4+s25+$0x0], $0xffff;
	v15 =	vor.u32 v0, v15;
	v8 =	vadd.f32 v8, v12  }
0x168: {  	v10 =	vand.u32 $0x3F, v16;
	v12 =	vadd.s32 $0x5, v1;
	v13 =	vadd.f32 v14, v13;
	v4 =	vld.idx.msk [tilespmem:v4+s28+$0x0], $0xffff  }
0x169: {  	v10 =	vor.u32 v0, v10;
	v14 =	vld.idx.msk [tilespmem:v5+s25+$0x0], $0xffff;
	v8 =	vadd.f32 v11, v8;
	v11 =	vshll.u32 v3, $0x10  }
0x16a: {  	v12 =	vand.u32 $0x3F, v12;
	v2 =	vmul.bf16 v6, v2;
	v3 =	vand.u32 $0xFFFF0000, v3;
	v5 =	vld.idx.msk [tilespmem:v5+s28+$0x0], $0xffff  }
0x16b: {  	v6 =	vor.u32 v0, v12;
	v11 =	vadd.f32 v11, v13;
	v3 =	vadd.f32 v3, v8  }
0x16c: {  	v7 =	vmul.bf16 v9, v7;
	v9 =	vshll.u32 v2, $0x10;
	v2 =	vand.u32 $0xFFFF0000, v2;
	v8 =	vld.idx.msk [tilespmem:v15+s28+$0x0], $0xffff  }
0x16d: {  	v13 =	vadd.s32 $0x6, v1;
	v9 =	vadd.f32 v9, v11;
	v12 =	vld.idx.msk [tilespmem:v15+s25+$0x0], $0xffff;
	v15 =	vadd.s32 $0x7, v1  }
0x16e: {  	v11 =	vshll.u32 v7, $0x10;
	v7 =	vand.u32 $0xFFFF0000, v7;
	v2 =	vadd.f32 v2, v3;
	v16 =	vld.idx.msk [tilespmem:v10+s25+$0x0], $0xffff  }
0x16f: {  	v4 =	vmul.bf16 v4, v17;
	v3 =	vadd.f32 v11, v9;
	v9 =	vand.u32 $0x3F, v13;
	v10 =	vld.idx.msk [tilespmem:v10+s28+$0x0], $0xffff  }
0x170: {  	v2 =	vadd.f32 v7, v2;
	v5 =	vmul.bf16 v5, v14;
	v7 =	vld.idx.msk [tilespmem:v6+s25+$0x0], $0xffff  }
0x171: {  	v11 =	vshll.u32 v4, $0x10;
	v4 =	vand.u32 $0xFFFF0000, v4;
	v13 =	vor.u32 v0, v9;
	v6 =	vld.idx.msk [tilespmem:v6+s28+$0x0], $0xffff  }
0x172: {  	v9 =	vand.u32 $0x3F, v15;
	v14 =	vshll.u32 v5, $0x10;
	v5 =	vand.u32 $0xFFFF0000, v5  }
0x173: {  	v11 =	vadd.f32 v11, v3;
	v3 =	vmul.bf16 v8, v12;
	v12 =	vor.u32 v0, v9  }
0x174: {  	v1 =	vadd.s32 $0x8, v1;
	v2 =	vadd.f32 v4, v2  }
0x175: {  	v1 =	vand.u32 $0x3F, v1;
	v15 =	vshll.u32 v3, $0x10;
	v17 =	vand.u32 $0xFFFF0000, v3  }
0x176: {  	v4 =	vadd.s32 $0x1, v1;
	v9 =	vor.u32 v0, v1;
	v8 =	vmul.bf16 v10, v16;
	v3 =	vld.idx.msk [tilespmem:v13+s25+$0x0], $0xffff  }
.Ltmp8:
0x177: {  	v4 =	vand.u32 $0x3F, v4;
	v11 =	vadd.f32 v14, v11;
	v14 =	vadd.f32 v5, v2;
	v10 =	vld.idx.msk [tilespmem:v13+s28+$0x0], $0xffff;
	(pc) =	sbr.rel @p0 .LBB2_17-.Ltmp8, $4  }
0x178: {  	v4 =	vor.u32 v0, v4;
	v5 =	vadd.s32 $0x2, v1;
	v16 =	vmul.bf16 v6, v7;
	v2 =	vld.idx.msk [tilespmem:v12+s25+$0x0], $0xffff  }
0x179: {  	v5 =	vand.u32 $0x3F, v5;
	v18 =	vshll.u32 v8, $0x10;
	v13 =	vadd.f32 v15, v11;
	v6 =	vld.idx.msk [tilespmem:v12+s28+$0x0], $0xffff  }
0x17a: {  	v5 =	vor.u32 v0, v5;
	v11 =	vand.u32 $0xFFFF0000, v16;
	v12 =	vadd.f32 v17, v14  }
0x17b: {  	v15 =	vadd.s32 $0x3, v1;
	v13 =	vadd.f32 v18, v13;
	v14 =	vshll.u32 v16, $0x10;
	v7 =	vld.idx.msk [tilespmem:v9+s25+$0x0], $0xffff  }
0x17c: {  	_ = 	snop  }
0x17d: {  	v15 =	vand.u32 $0x3F, v15  }
0x17e: {  	v16 =	vadd.s32 $0x4, v1;
	v8 =	vand.u32 $0xFFFF0000, v8;
	v3 =	vmul.bf16 v10, v3  }
0x17f: {  	v39 =	vadd.s32 $0x5, v1;
	v47 =	vadd.s32 $0x6, v1;
	v1 =	vadd.s32 $0x7, v1  }
0x180: {  	v9 =	vld.idx.msk [tilespmem:v9+s28+$0x0], $0xffff;
	v15 =	vor.u32 v0, v15;
	v8 =	vadd.f32 v8, v12;
	v38 =	vand.u32 $0x3F, v16  }
0x181: {  	v40 =	vld.idx.msk [tilespmem:v4+s25+$0x0], $0xffff;
	v13 =	vadd.f32 v14, v13;
	v12 =	vand.u32 $0x3F, v39;
	v1 =	vand.u32 $0x3F, v1  }
0x182: {  	v42 =	vld.idx.msk [tilespmem:v4+s28+$0x0], $0xffff;
	v10 =	vor.u32 v0, v38;
	v2 =	vmul.bf16 v6, v2;
	v8 =	vadd.f32 v11, v8  }
0x183: {  	v44 =	vld.idx.msk [tilespmem:v5+s25+$0x0], $0xffff;
	v41 =	vshll.u32 v3, $0x10;
	v3 =	vand.u32 $0xFFFF0000, v3;
	v43 =	vor.u32 v0, v12  }
0x184: {  	v45 =	vld.idx.msk [tilespmem:v5+s28+$0x0], $0xffff;
	v11 =	vadd.f32 v41, v13;
	v46 =	vshll.u32 v2, $0x10;
	v3 =	vadd.f32 v3, v8  }
0x185: {  	v2 =	vand.u32 $0xFFFF0000, v2;
	v7 =	vmul.bf16 v9, v7;
	v9 =	vand.u32 $0x3F, v47;
	v48 =	vld.idx.msk [tilespmem:v15+s28+$0x0], $0xffff  }
0x186: {  	v8 =	vadd.f32 v46, v11;
	v49 =	vld.idx.msk [tilespmem:v15+s25+$0x0], $0xffff;
	v2 =	vadd.f32 v2, v3;
	v3 =	vor.u32 v0, v9  }
0x187: {  	v4 =	vmul.bf16 v42, v40;
	v50 =	vshll.u32 v7, $0x10;
	v7 =	vand.u32 $0xFFFF0000, v7;
	v51 =	vld.idx.msk [tilespmem:v10+s25+$0x0], $0xffff  }
0x188: {  	v1 =	vor.u32 v0, v1;
	v10 =	vld.idx.msk [tilespmem:v10+s28+$0x0], $0xffff;
	v8 =	vadd.f32 v50, v8;
	v2 =	vadd.f32 v7, v2  }
0x189: {  	v5 =	vmul.bf16 v45, v44;
	v52 =	vld.idx.msk [tilespmem:v43+s25+$0x0], $0xffff;
	v53 =	vshll.u32 v4, $0x10;
	v4 =	vand.u32 $0xFFFF0000, v4  }
0x18a: {  	v6 =	vld.idx.msk [tilespmem:v43+s28+$0x0], $0xffff;
	v8 =	vadd.f32 v53, v8;
	v2 =	vadd.f32 v4, v2  }
0x18b: {  	v54 =	vshll.u32 v5, $0x10;
	v5 =	vand.u32 $0xFFFF0000, v5;
	v11 =	vmul.bf16 v48, v49;
	v55 =	vld.idx.msk [tilespmem:v3+s25+$0x0], $0xffff  }
0x18c: {  	v4 =	vadd.f32 v54, v8;
	v3 =	vld.idx.msk [tilespmem:v3+s28+$0x0], $0xffff;
	v2 =	vadd.f32 v5, v2  }
0x18d: {  	v58 =	vld.idx.msk [tilespmem:v1+s25+$0x0], $0xffff;
	v9 =	vmul.bf16 v10, v51;
	v56 =	vshll.u32 v11, $0x10;
	v57 =	vand.u32 $0xFFFF0000, v11  }
0x18e: {  	v1 =	vld.idx.msk [tilespmem:v1+s28+$0x0], $0xffff;
	v4 =	vadd.f32 v56, v4;
	v2 =	vadd.f32 v57, v2  }
0x18f: {  	v59 =	vmul.bf16 v6, v52;
	v60 =	vshll.u32 v9, $0x10;
	v61 =	vand.u32 $0xFFFF0000, v9  }
0x190: {  	v4 =	vadd.f32 v60, v4;
	v2 =	vadd.f32 v61, v2  }
0x191: {  	v62 =	vand.u32 $0xFFFF0000, v59;
	v5 =	vshll.u32 v59, $0x10;
	v3 =	vmul.bf16 v3, v55  }
0x192: {  	v4 =	vadd.f32 v5, v4;
	v2 =	vadd.f32 v62, v2  }
0x193: {  	v1 =	vmul.bf16 v1, v58;
	v63 =	vshll.u32 v3, $0x10;
	v3 =	vand.u32 $0xFFFF0000, v3  }
0x194: {  	v4 =	vadd.f32 v63, v4;
	v2 =	vadd.f32 v3, v2  }
0x195: {  	v3 =	vshll.u32 v1, $0x10;
	v1 =	vand.u32 $0xFFFF0000, v1  }
0x196: {  	v3 =	vadd.f32 v3, v4;
	v1 =	vadd.f32 v1, v2;
	_ =	sdelay $0x1  }
0x197: {  	s17 =	sadd.s32 $0x1, s17;
	v1 =	vadd.f32 v1, v3  }
0x198: {  	p0 =	sne.s32 s17, s8  }
.Ltmp9:
0x199: {  	s1 =	simm.s32 $0x11620;
	[tilespmem:$0x13D20] =	vst v1;
	(pc) =	sbr.rel @p0 .LBB2_1-.Ltmp9, $4  }
0x19a: {  	[hbm4b:s7+s3] =	stream.linear.scatter [tilespmem:s1], [sflag:$0x5], $0x2710, $0x38;
	[tilespmem:$0x1D970] =	vst v63  }
0x19b: {  	_ =	swait.ge [sflag:s9], $0x2710  }
0x19c: {  	[sflag:s9] =	ssyncset.done $0x0  }
0x19d: {  	[sflag:s9] =	ssyncadd.s32 $0xFFFFD8F0  }
0x19e: {  	_ =	sfence.sel $0x180000  }
0x19f: {  	[bflag:$0x0] =	sbarrier.arrive $0xFFFF  }
0x1a0: {  	_ =	strace $0x90000047  }
0x1a1: {  	s0 =	stileid.u32;
	[bflag:$0x2] =	sbarrier.arrive $0xFFFF  }
0x1a2: {  	p0 =	sne.s32 s0, $0x0;
	s0 =	rddreg [dreg:$0x3]  }
0x1a3: {  	s0 =	sadd.s32 @!p0 $0x100000, s0  }
0x1a4: {  	[sflag:s0] =	ssyncadd.tile.s32 @!p0 $0x1;
	_ =	shalt  }
.Lfunc_end2:
_tile_overlayer_lowered:
.L_overlay_start_2:
0x1a5: {  	(tag) =	ssettag $0x2  }
0x1a6: {  	s0 =	rddreg [dreg:$0x0];
	s2 =	stileid.u32  }
0x1a7: {  	s1 =	rddreg [dreg:$0x1];
	p0 =	sne.s32 s2, $0x0  }
0x1a8: {  	s3 =	rddreg [dreg:$0x2];
	[bflag:$0x3] =	sbarrier.arrive $0xFFFF;
	s2 =	simm.s32 @!p0 $0x1C05  }
0x1a9: {  	[timem:s3], [sflag:s2] =	dma.local @!p0 [hbm:s0], s1  }
0x1aa: {  	s0 =	simm.s32 @!p0 $0x5  }
0x1ab: {  	_ =	swait.ge @!p0 [sflag:s0], s1  }
0x1ac: {  	s1 =	ssub.s32 @!p0 $0x0, s1;
	[sflag:s0] =	ssyncset.done @!p0 $0x0  }
0x1ad: {  	[sflag:s0] =	ssyncadd.s32 @!p0 s1  }
0x1ae: {  	[bflag:$0x3] =	sbarrier.arrive $0xFFFF  }
0x1af: {  	_ =	shalt  }

</sc_bundles>
